<compile_context>
chip_gen: v7x
topology: tpu7x:2x2x1
jax: 0.10.2.dev20260603
libtpu: 0.0.44.dev20260713+nightly
codegen_flags: <defaults>
</compile_context>

<pallas_src>
import functools

import jax
import jax.numpy as jnp
from jax import lax
from jax.experimental import pallas as pl
from jax.experimental.pallas import tpu as pltpu
from jax.experimental.pallas import tpu_sc as plsc

B = 4096
L = 200
VOCAB = 1000000
D = 32

LANES = 128
N128 = VOCAB * D // LANES
VPR = LANES // D
ROWS_PER_BLK = 10000
GRID_TC = N128 // ROWS_PER_BLK


def _tv_body(t_ref, w_ref, sel_ref, out_ref):
    prod = t_ref[...] * w_ref[...]
    out_ref[...] = jnp.dot(prod, sel_ref[...], preferred_element_type=jnp.float32)


def _compute_tv(table, W):
    t2 = table.reshape(N128, LANES)
    w128 = jnp.tile(W.reshape(D), VPR).reshape(1, LANES)
    sel = (lax.broadcasted_iota(jnp.int32, (LANES, VPR), 0) // D ==
           lax.broadcasted_iota(jnp.int32, (LANES, VPR), 1)).astype(jnp.float32)
    return pl.pallas_call(
        _tv_body,
        grid=(GRID_TC,),
        in_specs=[
            pl.BlockSpec((ROWS_PER_BLK, LANES), lambda i: (i, 0)),
            pl.BlockSpec((1, LANES), lambda i: (0, 0)),
            pl.BlockSpec((LANES, VPR), lambda i: (0, 0)),
        ],
        out_specs=pl.BlockSpec((ROWS_PER_BLK, VPR), lambda i: (i, 0)),
        out_shape=jax.ShapeDtypeStruct((N128, VPR), jnp.float32),
    )(t2, w128, sel)


NC = 2
NS = 16
NW = NC * NS
G = 16
NGROUP = B // G
GPW = NGROUP // NW
GL = G * L
CHUNK = 128
NCHUNK = GL // CHUNK

@functools.cache
def _build_sc_pool():
    mesh = plsc.VectorSubcoreMesh(core_axis_name="c", subcore_axis_name="s")
    return functools.partial(
        pl.kernel,
        mesh=mesh,
        compiler_params=pltpu.CompilerParams(needs_layout_passes=False),
        out_type=jax.ShapeDtypeStruct((B,), jnp.float32),
        scratch_types=[
            pltpu.VMEM((GL,), jnp.int32),
            pltpu.VMEM((GL,), jnp.int32),
            pltpu.VMEM((GL,), jnp.float32),
            pltpu.VMEM((16,), jnp.float32),
            pltpu.VMEM((16,), jnp.float32),
            pltpu.SemaphoreType.DMA,
        ],
    )(_sc_pool)


def _sc_pool(xflat_hbm, tv_hbm, b16_hbm, out_hbm, xb, idxb, vbuf, outb, bv, sem):
    wid = lax.axis_index("s") * NC + lax.axis_index("c")
    pltpu.sync_copy(b16_hbm, bv)
    lane = lax.broadcasted_iota(jnp.int32, (16,), 0)
    lane_l = lane * L

    def group_body(g, carry):
        base = (wid * GPW + g) * G
        pltpu.sync_copy(xflat_hbm.at[pl.ds(base * L, GL)], xb)

        def tr_body(o, carry2):
            for j in range(8):
                l = o * 8 + j
                col = plsc.load_gather(xb, [lane_l + l])
                idxb[pl.ds(l * 16, 16)] = col
            return carry2
        lax.fori_loop(0, L // 8, tr_body, 0, unroll=False)

        handles = []
        for c in range(NCHUNK):
            handles.append(pltpu.async_copy(
                tv_hbm.at[idxb.at[pl.ds(c * CHUNK, CHUNK)]],
                vbuf.at[pl.ds(c * CHUNK, CHUNK)], sem))
        for h in handles:
            h.wait()

        def acc_body(o, acc):
            for j in range(8):
                l = o * 8 + j
                acc = acc + vbuf[pl.ds(l * 16, 16)]
            return acc
        acc = lax.fori_loop(0, L // 8, acc_body,
                            jnp.zeros((16,), jnp.float32), unroll=False)

        z = acc * (1.0 / L) + bv[...]
        outb[...] = 1.0 / (1.0 + jnp.exp(-z))
        pltpu.sync_copy(outb, out_hbm.at[pl.ds(base, G)])
        return carry
    lax.fori_loop(0, GPW, group_body, 0, unroll=False)


def kernel(x, table, W, b):
    tv = _compute_tv(table, W).reshape(VOCAB)
    xflat = x.reshape(B * L)
    b16 = jnp.broadcast_to(b, (16,))
    out = _build_sc_pool()(xflat, tv, b16)
    return out.reshape(B, 1)

# --- scband reference (transcript-rebuilt; emitter-appended) ---
"""Pipeline reference for scband-baseline-16750372454778 (READ-ONLY COPY).

The authoritative reference and input builder live on the scoring server;
editing this copy changes nothing except your own understanding.
"""

import jax, jax.numpy as jnp
import numpy as np

B = 4096
L = 200
VOCAB = 1000000
D = 32


def setup_inputs(seed: int = 0) -> dict:
    key = jax.random.key(seed)
    k1, k2, k3, k4 = jax.random.split(key, 4)
    x = jax.random.randint(k1, (B, L), 0, VOCAB, dtype=jnp.int32)
    table = jax.random.normal(k2, (VOCAB, D), dtype=jnp.float32) * 0.1
    W = jax.random.normal(k3, (1, D), dtype=jnp.float32) * 0.1
    b = jnp.zeros((1,), dtype=jnp.float32)
    return {"x": x, "table": table, "W": W, "b": b}


def reference(x, table, W, b):
    # nn.Embedding lookup: gather rows of the pretrained table
    e = jnp.take(table, x, axis=0)            # [B, L, D]
    # mean over sequence dimension
    m = jnp.mean(e, axis=1)                    # [B, D]
    # fc1: Linear(embed_dim, 1)
    logits = m @ W.T + b                       # [B, 1]
    out = jax.nn.sigmoid(logits)
    return out

if __name__ == "__main__":
    import jax
    _d = setup_inputs()
    print(jax.jit(kernel)(*tuple(_d.values())))

</pallas_src>

<mosaic_0001>
#map = affine_map<(d0, d1) -> (0)>
module attributes {stable_mosaic.version = 14 : i64} {
  func.func @_sc_pool(%arg0: i32, %arg1: i32, %arg2: memref<819200xi32, #tpu.memory_space<hbm>>, %arg3: memref<1000000xf32, #tpu.memory_space<hbm>>, %arg4: memref<16xf32, #tpu.memory_space<hbm>>, %arg5: memref<4096xf32, #tpu.memory_space<hbm>>, %arg6: memref<3200xi32, #tpu.memory_space<vmem>>, %arg7: memref<3200xi32, #tpu.memory_space<vmem>>, %arg8: memref<3200xf32, #tpu.memory_space<vmem>>, %arg9: memref<16xf32, #tpu.memory_space<vmem>>, %arg10: memref<16xf32, #tpu.memory_space<vmem>>, %arg11: memref<!tpu.dma_semaphore, #tpu.memory_space<semaphore_mem>>) attributes {dimension_semantics = [#tpu.dimension_semantics<core_parallel>, #tpu.dimension_semantics<subcore_parallel>], iteration_bounds = array<i64: 2, 16>, scalar_prefetch = 0 : i64, scratch_operands = 6 : i64, tpu.core_type = #tpu.core_type<sc_vector_subcore>, window_params = [{transform_indices = #map}, {transform_indices = #map}, {transform_indices = #map}, {transform_indices = #map}]} {
    %mul3A = arith.constant 2 : i32
    %mul3A_0 = arith.muli %arg1, %mul3A : i32
    %add3A = arith.addi %mul3A_0, %arg0 : i32
    "tpu.region"() ({
      %run_scoped3A = tpu.sem_alloc : memref<!tpu.dma_semaphore, #tpu.memory_space<semaphore_mem>>
      tpu.enqueue_dma source(%arg4 : memref<16xf32, #tpu.memory_space<hbm>>) target(%arg10 : memref<16xf32, #tpu.memory_space<vmem>>) target_semaphore(%run_scoped3A : memref<!tpu.dma_semaphore, #tpu.memory_space<semaphore_mem>>)
      tpu.wait_dma2 semaphore(%run_scoped3A : memref<!tpu.dma_semaphore, #tpu.memory_space<semaphore_mem>>) src(%arg4 : memref<16xf32, #tpu.memory_space<hbm>>) dst(%arg10 : memref<16xf32, #tpu.memory_space<vmem>>)
      tpu.yield
    }) : () -> ()
    %iota3A = tpu.iota {dimensions = array<i32: 0>} : vector<16xi32>
    %mul3A_1 = arith.constant 200 : i32
    %mul3A_2 = vector.broadcast %mul3A_1 : i32 to vector<16xi32>
    %mul3A_3 = arith.muli %iota3A, %mul3A_2 : vector<16xi32>
    %scan3A = arith.constant 0 : i32
    %scan3A_4 = arith.constant 0 : i32
    %scan3A_5 = arith.constant 8 : i32
    %scan3A_6 = arith.addi %scan3A_4, %scan3A_5 : i32
    %scan3A_7 = arith.constant 1 : i32
    scf.for %scan3A_9 = %scan3A_4 to %scan3A_6 step %scan3A_7  : i32 {
      %mul3A_10 = arith.constant 8 : i32
      %mul3A_11 = arith.muli %add3A, %mul3A_10 : i32
      %add3A_12 = arith.addi %mul3A_11, %scan3A_9 : i32
      %mul3A_13 = arith.constant 16 : i32
      %mul3A_14 = arith.muli %add3A_12, %mul3A_13 : i32
      %mul3A_15 = arith.constant 200 : i32
      %mul3A_16 = arith.muli %mul3A_14, %mul3A_15 : i32
      "tpu.region"() ({
        %run_scoped3A = tpu.sem_alloc : memref<!tpu.dma_semaphore, #tpu.memory_space<semaphore_mem>>
        %dma_start3A_341 = tpu.memref_slice %arg2[%mul3A_16] : memref<819200xi32, #tpu.memory_space<hbm>> -> memref<3200xi32, #tpu.memory_space<hbm>>
        %dma_start3A_342 = tpu.memref_slice %arg2[%mul3A_16] : memref<819200xi32, #tpu.memory_space<hbm>> -> memref<3200xi32, #tpu.memory_space<hbm>>
        tpu.enqueue_dma source(%dma_start3A_342 : memref<3200xi32, #tpu.memory_space<hbm>>) target(%arg6 : memref<3200xi32, #tpu.memory_space<vmem>>) target_semaphore(%run_scoped3A : memref<!tpu.dma_semaphore, #tpu.memory_space<semaphore_mem>>)
        %dma_wait3A_343 = tpu.memref_slice %arg2[%mul3A_16] : memref<819200xi32, #tpu.memory_space<hbm>> -> memref<3200xi32, #tpu.memory_space<hbm>>
        %dma_wait3A_344 = tpu.memref_slice %arg2[%mul3A_16] : memref<819200xi32, #tpu.memory_space<hbm>> -> memref<3200xi32, #tpu.memory_space<hbm>>
        tpu.wait_dma2 semaphore(%run_scoped3A : memref<!tpu.dma_semaphore, #tpu.memory_space<semaphore_mem>>) src(%dma_wait3A_344 : memref<3200xi32, #tpu.memory_space<hbm>>) dst(%arg6 : memref<3200xi32, #tpu.memory_space<vmem>>)
        tpu.yield
      }) : () -> ()
      %scan3A_17 = arith.constant 0 : i32
      %scan3A_18 = arith.constant 0 : i32
      %scan3A_19 = arith.constant 25 : i32
      %scan3A_20 = arith.addi %scan3A_18, %scan3A_19 : i32
      %scan3A_21 = arith.constant 1 : i32
      scf.for %scan3A_341 = %scan3A_18 to %scan3A_20 step %scan3A_21  : i32 {
        %mul3A_342 = arith.constant 8 : i32
        %mul3A_343 = arith.muli %scan3A_341, %mul3A_342 : i32
        %add3A_344 = arith.constant 0 : i32
        %add3A_345 = arith.addi %mul3A_343, %add3A_344 : i32
        %add3A_346 = vector.broadcast %add3A_345 : i32 to vector<16xi32>
        %add3A_347 = arith.addi %mul3A_3, %add3A_346 : vector<16xi32>
        %gather3A = tpu.vector_load_idx %arg6[%add3A_347] : memref<3200xi32, #tpu.memory_space<vmem>>[vector<16xi32>], vector<16xi32>,
        %mul3A_348 = arith.constant 16 : i32
        %mul3A_349 = arith.muli %add3A_345, %mul3A_348 : i32
        %swap3A_350 = arith.index_cast %mul3A_349 : i32 to index
        %swap3A_351 = tpu.vector_load %arg7[%swap3A_350] {strides = array<i32>} : memref<3200xi32, #tpu.memory_space<vmem>>, vector<16xi32>,
        tpu.vector_store %arg7[%swap3A_350], %gather3A {strides = array<i32>} : memref<3200xi32, #tpu.memory_space<vmem>>, vector<16xi32>,
        %mul3A_352 = arith.constant 8 : i32
        %mul3A_353 = arith.muli %scan3A_341, %mul3A_352 : i32
        %add3A_354 = arith.constant 1 : i32
        %add3A_355 = arith.addi %mul3A_353, %add3A_354 : i32
        %add3A_356 = vector.broadcast %add3A_355 : i32 to vector<16xi32>
        %add3A_357 = arith.addi %mul3A_3, %add3A_356 : vector<16xi32>
        %gather3A_358 = tpu.vector_load_idx %arg6[%add3A_357] : memref<3200xi32, #tpu.memory_space<vmem>>[vector<16xi32>], vector<16xi32>,
        %mul3A_359 = arith.constant 16 : i32
        %mul3A_360 = arith.muli %add3A_355, %mul3A_359 : i32
        %swap3A_361 = arith.index_cast %mul3A_360 : i32 to index
        %swap3A_362 = tpu.vector_load %arg7[%swap3A_361] {strides = array<i32>} : memref<3200xi32, #tpu.memory_space<vmem>>, vector<16xi32>,
        tpu.vector_store %arg7[%swap3A_361], %gather3A_358 {strides = array<i32>} : memref<3200xi32, #tpu.memory_space<vmem>>, vector<16xi32>,
        %mul3A_363 = arith.constant 8 : i32
        %mul3A_364 = arith.muli %scan3A_341, %mul3A_363 : i32
        %add3A_365 = arith.constant 2 : i32
        %add3A_366 = arith.addi %mul3A_364, %add3A_365 : i32
        %add3A_367 = vector.broadcast %add3A_366 : i32 to vector<16xi32>
        %add3A_368 = arith.addi %mul3A_3, %add3A_367 : vector<16xi32>
        %gather3A_369 = tpu.vector_load_idx %arg6[%add3A_368] : memref<3200xi32, #tpu.memory_space<vmem>>[vector<16xi32>], vector<16xi32>,
        %mul3A_370 = arith.constant 16 : i32
        %mul3A_371 = arith.muli %add3A_366, %mul3A_370 : i32
        %swap3A_372 = arith.index_cast %mul3A_371 : i32 to index
        %swap3A_373 = tpu.vector_load %arg7[%swap3A_372] {strides = array<i32>} : memref<3200xi32, #tpu.memory_space<vmem>>, vector<16xi32>,
        tpu.vector_store %arg7[%swap3A_372], %gather3A_369 {strides = array<i32>} : memref<3200xi32, #tpu.memory_space<vmem>>, vector<16xi32>,
        %mul3A_374 = arith.constant 8 : i32
        %mul3A_375 = arith.muli %scan3A_341, %mul3A_374 : i32
        %add3A_376 = arith.constant 3 : i32
        %add3A_377 = arith.addi %mul3A_375, %add3A_376 : i32
        %add3A_378 = vector.broadcast %add3A_377 : i32 to vector<16xi32>
        %add3A_379 = arith.addi %mul3A_3, %add3A_378 : vector<16xi32>
        %gather3A_380 = tpu.vector_load_idx %arg6[%add3A_379] : memref<3200xi32, #tpu.memory_space<vmem>>[vector<16xi32>], vector<16xi32>,
        %mul3A_381 = arith.constant 16 : i32
        %mul3A_382 = arith.muli %add3A_377, %mul3A_381 : i32
        %swap3A_383 = arith.index_cast %mul3A_382 : i32 to index
        %swap3A_384 = tpu.vector_load %arg7[%swap3A_383] {strides = array<i32>} : memref<3200xi32, #tpu.memory_space<vmem>>, vector<16xi32>,
        tpu.vector_store %arg7[%swap3A_383], %gather3A_380 {strides = array<i32>} : memref<3200xi32, #tpu.memory_space<vmem>>, vector<16xi32>,
        %mul3A_385 = arith.constant 8 : i32
        %mul3A_386 = arith.muli %scan3A_341, %mul3A_385 : i32
        %add3A_387 = arith.constant 4 : i32
        %add3A_388 = arith.addi %mul3A_386, %add3A_387 : i32
        %add3A_389 = vector.broadcast %add3A_388 : i32 to vector<16xi32>
        %add3A_390 = arith.addi %mul3A_3, %add3A_389 : vector<16xi32>
        %gather3A_391 = tpu.vector_load_idx %arg6[%add3A_390] : memref<3200xi32, #tpu.memory_space<vmem>>[vector<16xi32>], vector<16xi32>,
        %mul3A_392 = arith.constant 16 : i32
        %mul3A_393 = arith.muli %add3A_388, %mul3A_392 : i32
        %swap3A_394 = arith.index_cast %mul3A_393 : i32 to index
        %swap3A_395 = tpu.vector_load %arg7[%swap3A_394] {strides = array<i32>} : memref<3200xi32, #tpu.memory_space<vmem>>, vector<16xi32>,
        tpu.vector_store %arg7[%swap3A_394], %gather3A_391 {strides = array<i32>} : memref<3200xi32, #tpu.memory_space<vmem>>, vector<16xi32>,
        %mul3A_396 = arith.constant 8 : i32
        %mul3A_397 = arith.muli %scan3A_341, %mul3A_396 : i32
        %add3A_398 = arith.constant 5 : i32
        %add3A_399 = arith.addi %mul3A_397, %add3A_398 : i32
        %add3A_400 = vector.broadcast %add3A_399 : i32 to vector<16xi32>
        %add3A_401 = arith.addi %mul3A_3, %add3A_400 : vector<16xi32>
        %gather3A_402 = tpu.vector_load_idx %arg6[%add3A_401] : memref<3200xi32, #tpu.memory_space<vmem>>[vector<16xi32>], vector<16xi32>,
        %mul3A_403 = arith.constant 16 : i32
        %mul3A_404 = arith.muli %add3A_399, %mul3A_403 : i32
        %swap3A_405 = arith.index_cast %mul3A_404 : i32 to index
        %swap3A_406 = tpu.vector_load %arg7[%swap3A_405] {strides = array<i32>} : memref<3200xi32, #tpu.memory_space<vmem>>, vector<16xi32>,
        tpu.vector_store %arg7[%swap3A_405], %gather3A_402 {strides = array<i32>} : memref<3200xi32, #tpu.memory_space<vmem>>, vector<16xi32>,
        %mul3A_407 = arith.constant 8 : i32
        %mul3A_408 = arith.muli %scan3A_341, %mul3A_407 : i32
        %add3A_409 = arith.constant 6 : i32
        %add3A_410 = arith.addi %mul3A_408, %add3A_409 : i32
        %add3A_411 = vector.broadcast %add3A_410 : i32 to vector<16xi32>
        %add3A_412 = arith.addi %mul3A_3, %add3A_411 : vector<16xi32>
        %gather3A_413 = tpu.vector_load_idx %arg6[%add3A_412] : memref<3200xi32, #tpu.memory_space<vmem>>[vector<16xi32>], vector<16xi32>,
        %mul3A_414 = arith.constant 16 : i32
        %mul3A_415 = arith.muli %add3A_410, %mul3A_414 : i32
        %swap3A_416 = arith.index_cast %mul3A_415 : i32 to index
        %swap3A_417 = tpu.vector_load %arg7[%swap3A_416] {strides = array<i32>} : memref<3200xi32, #tpu.memory_space<vmem>>, vector<16xi32>,
        tpu.vector_store %arg7[%swap3A_416], %gather3A_413 {strides = array<i32>} : memref<3200xi32, #tpu.memory_space<vmem>>, vector<16xi32>,
        %mul3A_418 = arith.constant 8 : i32
        %mul3A_419 = arith.muli %scan3A_341, %mul3A_418 : i32
        %add3A_420 = arith.constant 7 : i32
        %add3A_421 = arith.addi %mul3A_419, %add3A_420 : i32
        %add3A_422 = vector.broadcast %add3A_421 : i32 to vector<16xi32>
        %add3A_423 = arith.addi %mul3A_3, %add3A_422 : vector<16xi32>
        %gather3A_424 = tpu.vector_load_idx %arg6[%add3A_423] : memref<3200xi32, #tpu.memory_space<vmem>>[vector<16xi32>], vector<16xi32>,
        %mul3A_425 = arith.constant 16 : i32
        %mul3A_426 = arith.muli %add3A_421, %mul3A_425 : i32
        %swap3A_427 = arith.index_cast %mul3A_426 : i32 to index
        %swap3A_428 = tpu.vector_load %arg7[%swap3A_427] {strides = array<i32>} : memref<3200xi32, #tpu.memory_space<vmem>>, vector<16xi32>,
        tpu.vector_store %arg7[%swap3A_427], %gather3A_424 {strides = array<i32>} : memref<3200xi32, #tpu.memory_space<vmem>>, vector<16xi32>,
      }
      %scan3A_22 = arith.constant 25 : i32
      %dma_start3A = arith.constant 0 : i32
      %dma_start3A_23 = tpu.memref_slice %arg8[%dma_start3A] : memref<3200xf32, #tpu.memory_space<vmem>> -> memref<128xf32, #tpu.memory_space<vmem>>
      %dma_start3A_24 = arith.constant 0 : i32
      %dma_start3A_25 = tpu.memref_slice %arg7[%dma_start3A_24] : memref<3200xi32, #tpu.memory_space<vmem>> -> memref<128xi32, #tpu.memory_space<vmem>>
      %dma_start3A_26 = arith.constant 0 : i32
      %dma_start3A_27 = tpu.memref_slice %arg3[%dma_start3A_26] : memref<1000000xf32, #tpu.memory_space<hbm>> -> memref<1000000xf32, #tpu.memory_space<hbm>>
      tpu.enqueue_indirect_dma source(%dma_start3A_27 : memref<1000000xf32, #tpu.memory_space<hbm>>) target(%dma_start3A_23 : memref<128xf32, #tpu.memory_space<vmem>>) offsets(%dma_start3A_25 : memref<128xi32, #tpu.memory_space<vmem>>) semaphore(%arg11 : memref<!tpu.dma_semaphore, #tpu.memory_space<semaphore_mem>>)
      %dma_start3A_28 = arith.constant 128 : i32
      %dma_start3A_29 = tpu.memref_slice %arg8[%dma_start3A_28] : memref<3200xf32, #tpu.memory_space<vmem>> -> memref<128xf32, #tpu.memory_space<vmem>>
      %dma_start3A_30 = arith.constant 128 : i32
      %dma_start3A_31 = tpu.memref_slice %arg7[%dma_start3A_30] : memref<3200xi32, #tpu.memory_space<vmem>> -> memref<128xi32, #tpu.memory_space<vmem>>
      %dma_start3A_32 = arith.constant 0 : i32
      %dma_start3A_33 = tpu.memref_slice %arg3[%dma_start3A_32] : memref<1000000xf32, #tpu.memory_space<hbm>> -> memref<1000000xf32, #tpu.memory_space<hbm>>
      tpu.enqueue_indirect_dma source(%dma_start3A_33 : memref<1000000xf32, #tpu.memory_space<hbm>>) target(%dma_start3A_29 : memref<128xf32, #tpu.memory_space<vmem>>) offsets(%dma_start3A_31 : memref<128xi32, #tpu.memory_space<vmem>>) semaphore(%arg11 : memref<!tpu.dma_semaphore, #tpu.memory_space<semaphore_mem>>)
      %dma_start3A_34 = arith.constant 256 : i32
      %dma_start3A_35 = tpu.memref_slice %arg8[%dma_start3A_34] : memref<3200xf32, #tpu.memory_space<vmem>> -> memref<128xf32, #tpu.memory_space<vmem>>
      %dma_start3A_36 = arith.constant 256 : i32
      %dma_start3A_37 = tpu.memref_slice %arg7[%dma_start3A_36] : memref<3200xi32, #tpu.memory_space<vmem>> -> memref<128xi32, #tpu.memory_space<vmem>>
      %dma_start3A_38 = arith.constant 0 : i32
      %dma_start3A_39 = tpu.memref_slice %arg3[%dma_start3A_38] : memref<1000000xf32, #tpu.memory_space<hbm>> -> memref<1000000xf32, #tpu.memory_space<hbm>>
      tpu.enqueue_indirect_dma source(%dma_start3A_39 : memref<1000000xf32, #tpu.memory_space<hbm>>) target(%dma_start3A_35 : memref<128xf32, #tpu.memory_space<vmem>>) offsets(%dma_start3A_37 : memref<128xi32, #tpu.memory_space<vmem>>) semaphore(%arg11 : memref<!tpu.dma_semaphore, #tpu.memory_space<semaphore_mem>>)
      %dma_start3A_40 = arith.constant 384 : i32
      %dma_start3A_41 = tpu.memref_slice %arg8[%dma_start3A_40] : memref<3200xf32, #tpu.memory_space<vmem>> -> memref<128xf32, #tpu.memory_space<vmem>>
      %dma_start3A_42 = arith.constant 384 : i32
      %dma_start3A_43 = tpu.memref_slice %arg7[%dma_start3A_42] : memref<3200xi32, #tpu.memory_space<vmem>> -> memref<128xi32, #tpu.memory_space<vmem>>
      %dma_start3A_44 = arith.constant 0 : i32
      %dma_start3A_45 = tpu.memref_slice %arg3[%dma_start3A_44] : memref<1000000xf32, #tpu.memory_space<hbm>> -> memref<1000000xf32, #tpu.memory_space<hbm>>
      tpu.enqueue_indirect_dma source(%dma_start3A_45 : memref<1000000xf32, #tpu.memory_space<hbm>>) target(%dma_start3A_41 : memref<128xf32, #tpu.memory_space<vmem>>) offsets(%dma_start3A_43 : memref<128xi32, #tpu.memory_space<vmem>>) semaphore(%arg11 : memref<!tpu.dma_semaphore, #tpu.memory_space<semaphore_mem>>)
      %dma_start3A_46 = arith.constant 512 : i32
      %dma_start3A_47 = tpu.memref_slice %arg8[%dma_start3A_46] : memref<3200xf32, #tpu.memory_space<vmem>> -> memref<128xf32, #tpu.memory_space<vmem>>
      %dma_start3A_48 = arith.constant 512 : i32
      %dma_start3A_49 = tpu.memref_slice %arg7[%dma_start3A_48] : memref<3200xi32, #tpu.memory_space<vmem>> -> memref<128xi32, #tpu.memory_space<vmem>>
      %dma_start3A_50 = arith.constant 0 : i32
      %dma_start3A_51 = tpu.memref_slice %arg3[%dma_start3A_50] : memref<1000000xf32, #tpu.memory_space<hbm>> -> memref<1000000xf32, #tpu.memory_space<hbm>>
      tpu.enqueue_indirect_dma source(%dma_start3A_51 : memref<1000000xf32, #tpu.memory_space<hbm>>) target(%dma_start3A_47 : memref<128xf32, #tpu.memory_space<vmem>>) offsets(%dma_start3A_49 : memref<128xi32, #tpu.memory_space<vmem>>) semaphore(%arg11 : memref<!tpu.dma_semaphore, #tpu.memory_space<semaphore_mem>>)
      %dma_start3A_52 = arith.constant 640 : i32
      %dma_start3A_53 = tpu.memref_slice %arg8[%dma_start3A_52] : memref<3200xf32, #tpu.memory_space<vmem>> -> memref<128xf32, #tpu.memory_space<vmem>>
      %dma_start3A_54 = arith.constant 640 : i32
      %dma_start3A_55 = tpu.memref_slice %arg7[%dma_start3A_54] : memref<3200xi32, #tpu.memory_space<vmem>> -> memref<128xi32, #tpu.memory_space<vmem>>
      %dma_start3A_56 = arith.constant 0 : i32
      %dma_start3A_57 = tpu.memref_slice %arg3[%dma_start3A_56] : memref<1000000xf32, #tpu.memory_space<hbm>> -> memref<1000000xf32, #tpu.memory_space<hbm>>
      tpu.enqueue_indirect_dma source(%dma_start3A_57 : memref<1000000xf32, #tpu.memory_space<hbm>>) target(%dma_start3A_53 : memref<128xf32, #tpu.memory_space<vmem>>) offsets(%dma_start3A_55 : memref<128xi32, #tpu.memory_space<vmem>>) semaphore(%arg11 : memref<!tpu.dma_semaphore, #tpu.memory_space<semaphore_mem>>)
      %dma_start3A_58 = arith.constant 768 : i32
      %dma_start3A_59 = tpu.memref_slice %arg8[%dma_start3A_58] : memref<3200xf32, #tpu.memory_space<vmem>> -> memref<128xf32, #tpu.memory_space<vmem>>
      %dma_start3A_60 = arith.constant 768 : i32
      %dma_start3A_61 = tpu.memref_slice %arg7[%dma_start3A_60] : memref<3200xi32, #tpu.memory_space<vmem>> -> memref<128xi32, #tpu.memory_space<vmem>>
      %dma_start3A_62 = arith.constant 0 : i32
      %dma_start3A_63 = tpu.memref_slice %arg3[%dma_start3A_62] : memref<1000000xf32, #tpu.memory_space<hbm>> -> memref<1000000xf32, #tpu.memory_space<hbm>>
      tpu.enqueue_indirect_dma source(%dma_start3A_63 : memref<1000000xf32, #tpu.memory_space<hbm>>) target(%dma_start3A_59 : memref<128xf32, #tpu.memory_space<vmem>>) offsets(%dma_start3A_61 : memref<128xi32, #tpu.memory_space<vmem>>) semaphore(%arg11 : memref<!tpu.dma_semaphore, #tpu.memory_space<semaphore_mem>>)
      %dma_start3A_64 = arith.constant 896 : i32
      %dma_start3A_65 = tpu.memref_slice %arg8[%dma_start3A_64] : memref<3200xf32, #tpu.memory_space<vmem>> -> memref<128xf32, #tpu.memory_space<vmem>>
      %dma_start3A_66 = arith.constant 896 : i32
      %dma_start3A_67 = tpu.memref_slice %arg7[%dma_start3A_66] : memref<3200xi32, #tpu.memory_space<vmem>> -> memref<128xi32, #tpu.memory_space<vmem>>
      %dma_start3A_68 = arith.constant 0 : i32
      %dma_start3A_69 = tpu.memref_slice %arg3[%dma_start3A_68] : memref<1000000xf32, #tpu.memory_space<hbm>> -> memref<1000000xf32, #tpu.memory_space<hbm>>
      tpu.enqueue_indirect_dma source(%dma_start3A_69 : memref<1000000xf32, #tpu.memory_space<hbm>>) target(%dma_start3A_65 : memref<128xf32, #tpu.memory_space<vmem>>) offsets(%dma_start3A_67 : memref<128xi32, #tpu.memory_space<vmem>>) semaphore(%arg11 : memref<!tpu.dma_semaphore, #tpu.memory_space<semaphore_mem>>)
      %dma_start3A_70 = arith.constant 1024 : i32
      %dma_start3A_71 = tpu.memref_slice %arg8[%dma_start3A_70] : memref<3200xf32, #tpu.memory_space<vmem>> -> memref<128xf32, #tpu.memory_space<vmem>>
      %dma_start3A_72 = arith.constant 1024 : i32
      %dma_start3A_73 = tpu.memref_slice %arg7[%dma_start3A_72] : memref<3200xi32, #tpu.memory_space<vmem>> -> memref<128xi32, #tpu.memory_space<vmem>>
      %dma_start3A_74 = arith.constant 0 : i32
      %dma_start3A_75 = tpu.memref_slice %arg3[%dma_start3A_74] : memref<1000000xf32, #tpu.memory_space<hbm>> -> memref<1000000xf32, #tpu.memory_space<hbm>>
      tpu.enqueue_indirect_dma source(%dma_start3A_75 : memref<1000000xf32, #tpu.memory_space<hbm>>) target(%dma_start3A_71 : memref<128xf32, #tpu.memory_space<vmem>>) offsets(%dma_start3A_73 : memref<128xi32, #tpu.memory_space<vmem>>) semaphore(%arg11 : memref<!tpu.dma_semaphore, #tpu.memory_space<semaphore_mem>>)
      %dma_start3A_76 = arith.constant 1152 : i32
      %dma_start3A_77 = tpu.memref_slice %arg8[%dma_start3A_76] : memref<3200xf32, #tpu.memory_space<vmem>> -> memref<128xf32, #tpu.memory_space<vmem>>
      %dma_start3A_78 = arith.constant 1152 : i32
      %dma_start3A_79 = tpu.memref_slice %arg7[%dma_start3A_78] : memref<3200xi32, #tpu.memory_space<vmem>> -> memref<128xi32, #tpu.memory_space<vmem>>
      %dma_start3A_80 = arith.constant 0 : i32
      %dma_start3A_81 = tpu.memref_slice %arg3[%dma_start3A_80] : memref<1000000xf32, #tpu.memory_space<hbm>> -> memref<1000000xf32, #tpu.memory_space<hbm>>
      tpu.enqueue_indirect_dma source(%dma_start3A_81 : memref<1000000xf32, #tpu.memory_space<hbm>>) target(%dma_start3A_77 : memref<128xf32, #tpu.memory_space<vmem>>) offsets(%dma_start3A_79 : memref<128xi32, #tpu.memory_space<vmem>>) semaphore(%arg11 : memref<!tpu.dma_semaphore, #tpu.memory_space<semaphore_mem>>)
      %dma_start3A_82 = arith.constant 1280 : i32
      %dma_start3A_83 = tpu.memref_slice %arg8[%dma_start3A_82] : memref<3200xf32, #tpu.memory_space<vmem>> -> memref<128xf32, #tpu.memory_space<vmem>>
      %dma_start3A_84 = arith.constant 1280 : i32
      %dma_start3A_85 = tpu.memref_slice %arg7[%dma_start3A_84] : memref<3200xi32, #tpu.memory_space<vmem>> -> memref<128xi32, #tpu.memory_space<vmem>>
      %dma_start3A_86 = arith.constant 0 : i32
      %dma_start3A_87 = tpu.memref_slice %arg3[%dma_start3A_86] : memref<1000000xf32, #tpu.memory_space<hbm>> -> memref<1000000xf32, #tpu.memory_space<hbm>>
      tpu.enqueue_indirect_dma source(%dma_start3A_87 : memref<1000000xf32, #tpu.memory_space<hbm>>) target(%dma_start3A_83 : memref<128xf32, #tpu.memory_space<vmem>>) offsets(%dma_start3A_85 : memref<128xi32, #tpu.memory_space<vmem>>) semaphore(%arg11 : memref<!tpu.dma_semaphore, #tpu.memory_space<semaphore_mem>>)
      %dma_start3A_88 = arith.constant 1408 : i32
      %dma_start3A_89 = tpu.memref_slice %arg8[%dma_start3A_88] : memref<3200xf32, #tpu.memory_space<vmem>> -> memref<128xf32, #tpu.memory_space<vmem>>
      %dma_start3A_90 = arith.constant 1408 : i32
      %dma_start3A_91 = tpu.memref_slice %arg7[%dma_start3A_90] : memref<3200xi32, #tpu.memory_space<vmem>> -> memref<128xi32, #tpu.memory_space<vmem>>
      %dma_start3A_92 = arith.constant 0 : i32
      %dma_start3A_93 = tpu.memref_slice %arg3[%dma_start3A_92] : memref<1000000xf32, #tpu.memory_space<hbm>> -> memref<1000000xf32, #tpu.memory_space<hbm>>
      tpu.enqueue_indirect_dma source(%dma_start3A_93 : memref<1000000xf32, #tpu.memory_space<hbm>>) target(%dma_start3A_89 : memref<128xf32, #tpu.memory_space<vmem>>) offsets(%dma_start3A_91 : memref<128xi32, #tpu.memory_space<vmem>>) semaphore(%arg11 : memref<!tpu.dma_semaphore, #tpu.memory_space<semaphore_mem>>)
      %dma_start3A_94 = arith.constant 1536 : i32
      %dma_start3A_95 = tpu.memref_slice %arg8[%dma_start3A_94] : memref<3200xf32, #tpu.memory_space<vmem>> -> memref<128xf32, #tpu.memory_space<vmem>>
      %dma_start3A_96 = arith.constant 1536 : i32
      %dma_start3A_97 = tpu.memref_slice %arg7[%dma_start3A_96] : memref<3200xi32, #tpu.memory_space<vmem>> -> memref<128xi32, #tpu.memory_space<vmem>>
      %dma_start3A_98 = arith.constant 0 : i32
      %dma_start3A_99 = tpu.memref_slice %arg3[%dma_start3A_98] : memref<1000000xf32, #tpu.memory_space<hbm>> -> memref<1000000xf32, #tpu.memory_space<hbm>>
      tpu.enqueue_indirect_dma source(%dma_start3A_99 : memref<1000000xf32, #tpu.memory_space<hbm>>) target(%dma_start3A_95 : memref<128xf32, #tpu.memory_space<vmem>>) offsets(%dma_start3A_97 : memref<128xi32, #tpu.memory_space<vmem>>) semaphore(%arg11 : memref<!tpu.dma_semaphore, #tpu.memory_space<semaphore_mem>>)
      %dma_start3A_100 = arith.constant 1664 : i32
      %dma_start3A_101 = tpu.memref_slice %arg8[%dma_start3A_100] : memref<3200xf32, #tpu.memory_space<vmem>> -> memref<128xf32, #tpu.memory_space<vmem>>
      %dma_start3A_102 = arith.constant 1664 : i32
      %dma_start3A_103 = tpu.memref_slice %arg7[%dma_start3A_102] : memref<3200xi32, #tpu.memory_space<vmem>> -> memref<128xi32, #tpu.memory_space<vmem>>
      %dma_start3A_104 = arith.constant 0 : i32
      %dma_start3A_105 = tpu.memref_slice %arg3[%dma_start3A_104] : memref<1000000xf32, #tpu.memory_space<hbm>> -> memref<1000000xf32, #tpu.memory_space<hbm>>
      tpu.enqueue_indirect_dma source(%dma_start3A_105 : memref<1000000xf32, #tpu.memory_space<hbm>>) target(%dma_start3A_101 : memref<128xf32, #tpu.memory_space<vmem>>) offsets(%dma_start3A_103 : memref<128xi32, #tpu.memory_space<vmem>>) semaphore(%arg11 : memref<!tpu.dma_semaphore, #tpu.memory_space<semaphore_mem>>)
      %dma_start3A_106 = arith.constant 1792 : i32
      %dma_start3A_107 = tpu.memref_slice %arg8[%dma_start3A_106] : memref<3200xf32, #tpu.memory_space<vmem>> -> memref<128xf32, #tpu.memory_space<vmem>>
      %dma_start3A_108 = arith.constant 1792 : i32
      %dma_start3A_109 = tpu.memref_slice %arg7[%dma_start3A_108] : memref<3200xi32, #tpu.memory_space<vmem>> -> memref<128xi32, #tpu.memory_space<vmem>>
      %dma_start3A_110 = arith.constant 0 : i32
      %dma_start3A_111 = tpu.memref_slice %arg3[%dma_start3A_110] : memref<1000000xf32, #tpu.memory_space<hbm>> -> memref<1000000xf32, #tpu.memory_space<hbm>>
      tpu.enqueue_indirect_dma source(%dma_start3A_111 : memref<1000000xf32, #tpu.memory_space<hbm>>) target(%dma_start3A_107 : memref<128xf32, #tpu.memory_space<vmem>>) offsets(%dma_start3A_109 : memref<128xi32, #tpu.memory_space<vmem>>) semaphore(%arg11 : memref<!tpu.dma_semaphore, #tpu.memory_space<semaphore_mem>>)
      %dma_start3A_112 = arith.constant 1920 : i32
      %dma_start3A_113 = tpu.memref_slice %arg8[%dma_start3A_112] : memref<3200xf32, #tpu.memory_space<vmem>> -> memref<128xf32, #tpu.memory_space<vmem>>
      %dma_start3A_114 = arith.constant 1920 : i32
      %dma_start3A_115 = tpu.memref_slice %arg7[%dma_start3A_114] : memref<3200xi32, #tpu.memory_space<vmem>> -> memref<128xi32, #tpu.memory_space<vmem>>
      %dma_start3A_116 = arith.constant 0 : i32
      %dma_start3A_117 = tpu.memref_slice %arg3[%dma_start3A_116] : memref<1000000xf32, #tpu.memory_space<hbm>> -> memref<1000000xf32, #tpu.memory_space<hbm>>
      tpu.enqueue_indirect_dma source(%dma_start3A_117 : memref<1000000xf32, #tpu.memory_space<hbm>>) target(%dma_start3A_113 : memref<128xf32, #tpu.memory_space<vmem>>) offsets(%dma_start3A_115 : memref<128xi32, #tpu.memory_space<vmem>>) semaphore(%arg11 : memref<!tpu.dma_semaphore, #tpu.memory_space<semaphore_mem>>)
      %dma_start3A_118 = arith.constant 2048 : i32
      %dma_start3A_119 = tpu.memref_slice %arg8[%dma_start3A_118] : memref<3200xf32, #tpu.memory_space<vmem>> -> memref<128xf32, #tpu.memory_space<vmem>>
      %dma_start3A_120 = arith.constant 2048 : i32
      %dma_start3A_121 = tpu.memref_slice %arg7[%dma_start3A_120] : memref<3200xi32, #tpu.memory_space<vmem>> -> memref<128xi32, #tpu.memory_space<vmem>>
      %dma_start3A_122 = arith.constant 0 : i32
      %dma_start3A_123 = tpu.memref_slice %arg3[%dma_start3A_122] : memref<1000000xf32, #tpu.memory_space<hbm>> -> memref<1000000xf32, #tpu.memory_space<hbm>>
      tpu.enqueue_indirect_dma source(%dma_start3A_123 : memref<1000000xf32, #tpu.memory_space<hbm>>) target(%dma_start3A_119 : memref<128xf32, #tpu.memory_space<vmem>>) offsets(%dma_start3A_121 : memref<128xi32, #tpu.memory_space<vmem>>) semaphore(%arg11 : memref<!tpu.dma_semaphore, #tpu.memory_space<semaphore_mem>>)
      %dma_start3A_124 = arith.constant 2176 : i32
      %dma_start3A_125 = tpu.memref_slice %arg8[%dma_start3A_124] : memref<3200xf32, #tpu.memory_space<vmem>> -> memref<128xf32, #tpu.memory_space<vmem>>
      %dma_start3A_126 = arith.constant 2176 : i32
      %dma_start3A_127 = tpu.memref_slice %arg7[%dma_start3A_126] : memref<3200xi32, #tpu.memory_space<vmem>> -> memref<128xi32, #tpu.memory_space<vmem>>
      %dma_start3A_128 = arith.constant 0 : i32
      %dma_start3A_129 = tpu.memref_slice %arg3[%dma_start3A_128] : memref<1000000xf32, #tpu.memory_space<hbm>> -> memref<1000000xf32, #tpu.memory_space<hbm>>
      tpu.enqueue_indirect_dma source(%dma_start3A_129 : memref<1000000xf32, #tpu.memory_space<hbm>>) target(%dma_start3A_125 : memref<128xf32, #tpu.memory_space<vmem>>) offsets(%dma_start3A_127 : memref<128xi32, #tpu.memory_space<vmem>>) semaphore(%arg11 : memref<!tpu.dma_semaphore, #tpu.memory_space<semaphore_mem>>)
      %dma_start3A_130 = arith.constant 2304 : i32
      %dma_start3A_131 = tpu.memref_slice %arg8[%dma_start3A_130] : memref<3200xf32, #tpu.memory_space<vmem>> -> memref<128xf32, #tpu.memory_space<vmem>>
      %dma_start3A_132 = arith.constant 2304 : i32
      %dma_start3A_133 = tpu.memref_slice %arg7[%dma_start3A_132] : memref<3200xi32, #tpu.memory_space<vmem>> -> memref<128xi32, #tpu.memory_space<vmem>>
      %dma_start3A_134 = arith.constant 0 : i32
      %dma_start3A_135 = tpu.memref_slice %arg3[%dma_start3A_134] : memref<1000000xf32, #tpu.memory_space<hbm>> -> memref<1000000xf32, #tpu.memory_space<hbm>>
      tpu.enqueue_indirect_dma source(%dma_start3A_135 : memref<1000000xf32, #tpu.memory_space<hbm>>) target(%dma_start3A_131 : memref<128xf32, #tpu.memory_space<vmem>>) offsets(%dma_start3A_133 : memref<128xi32, #tpu.memory_space<vmem>>) semaphore(%arg11 : memref<!tpu.dma_semaphore, #tpu.memory_space<semaphore_mem>>)
      %dma_start3A_136 = arith.constant 2432 : i32
      %dma_start3A_137 = tpu.memref_slice %arg8[%dma_start3A_136] : memref<3200xf32, #tpu.memory_space<vmem>> -> memref<128xf32, #tpu.memory_space<vmem>>
      %dma_start3A_138 = arith.constant 2432 : i32
      %dma_start3A_139 = tpu.memref_slice %arg7[%dma_start3A_138] : memref<3200xi32, #tpu.memory_space<vmem>> -> memref<128xi32, #tpu.memory_space<vmem>>
      %dma_start3A_140 = arith.constant 0 : i32
      %dma_start3A_141 = tpu.memref_slice %arg3[%dma_start3A_140] : memref<1000000xf32, #tpu.memory_space<hbm>> -> memref<1000000xf32, #tpu.memory_space<hbm>>
      tpu.enqueue_indirect_dma source(%dma_start3A_141 : memref<1000000xf32, #tpu.memory_space<hbm>>) target(%dma_start3A_137 : memref<128xf32, #tpu.memory_space<vmem>>) offsets(%dma_start3A_139 : memref<128xi32, #tpu.memory_space<vmem>>) semaphore(%arg11 : memref<!tpu.dma_semaphore, #tpu.memory_space<semaphore_mem>>)
      %dma_start3A_142 = arith.constant 2560 : i32
      %dma_start3A_143 = tpu.memref_slice %arg8[%dma_start3A_142] : memref<3200xf32, #tpu.memory_space<vmem>> -> memref<128xf32, #tpu.memory_space<vmem>>
      %dma_start3A_144 = arith.constant 2560 : i32
      %dma_start3A_145 = tpu.memref_slice %arg7[%dma_start3A_144] : memref<3200xi32, #tpu.memory_space<vmem>> -> memref<128xi32, #tpu.memory_space<vmem>>
      %dma_start3A_146 = arith.constant 0 : i32
      %dma_start3A_147 = tpu.memref_slice %arg3[%dma_start3A_146] : memref<1000000xf32, #tpu.memory_space<hbm>> -> memref<1000000xf32, #tpu.memory_space<hbm>>
      tpu.enqueue_indirect_dma source(%dma_start3A_147 : memref<1000000xf32, #tpu.memory_space<hbm>>) target(%dma_start3A_143 : memref<128xf32, #tpu.memory_space<vmem>>) offsets(%dma_start3A_145 : memref<128xi32, #tpu.memory_space<vmem>>) semaphore(%arg11 : memref<!tpu.dma_semaphore, #tpu.memory_space<semaphore_mem>>)
      %dma_start3A_148 = arith.constant 2688 : i32
      %dma_start3A_149 = tpu.memref_slice %arg8[%dma_start3A_148] : memref<3200xf32, #tpu.memory_space<vmem>> -> memref<128xf32, #tpu.memory_space<vmem>>
      %dma_start3A_150 = arith.constant 2688 : i32
      %dma_start3A_151 = tpu.memref_slice %arg7[%dma_start3A_150] : memref<3200xi32, #tpu.memory_space<vmem>> -> memref<128xi32, #tpu.memory_space<vmem>>
      %dma_start3A_152 = arith.constant 0 : i32
      %dma_start3A_153 = tpu.memref_slice %arg3[%dma_start3A_152] : memref<1000000xf32, #tpu.memory_space<hbm>> -> memref<1000000xf32, #tpu.memory_space<hbm>>
      tpu.enqueue_indirect_dma source(%dma_start3A_153 : memref<1000000xf32, #tpu.memory_space<hbm>>) target(%dma_start3A_149 : memref<128xf32, #tpu.memory_space<vmem>>) offsets(%dma_start3A_151 : memref<128xi32, #tpu.memory_space<vmem>>) semaphore(%arg11 : memref<!tpu.dma_semaphore, #tpu.memory_space<semaphore_mem>>)
      %dma_start3A_154 = arith.constant 2816 : i32
      %dma_start3A_155 = tpu.memref_slice %arg8[%dma_start3A_154] : memref<3200xf32, #tpu.memory_space<vmem>> -> memref<128xf32, #tpu.memory_space<vmem>>
      %dma_start3A_156 = arith.constant 2816 : i32
      %dma_start3A_157 = tpu.memref_slice %arg7[%dma_start3A_156] : memref<3200xi32, #tpu.memory_space<vmem>> -> memref<128xi32, #tpu.memory_space<vmem>>
      %dma_start3A_158 = arith.constant 0 : i32
      %dma_start3A_159 = tpu.memref_slice %arg3[%dma_start3A_158] : memref<1000000xf32, #tpu.memory_space<hbm>> -> memref<1000000xf32, #tpu.memory_space<hbm>>
      tpu.enqueue_indirect_dma source(%dma_start3A_159 : memref<1000000xf32, #tpu.memory_space<hbm>>) target(%dma_start3A_155 : memref<128xf32, #tpu.memory_space<vmem>>) offsets(%dma_start3A_157 : memref<128xi32, #tpu.memory_space<vmem>>) semaphore(%arg11 : memref<!tpu.dma_semaphore, #tpu.memory_space<semaphore_mem>>)
      %dma_start3A_160 = arith.constant 2944 : i32
      %dma_start3A_161 = tpu.memref_slice %arg8[%dma_start3A_160] : memref<3200xf32, #tpu.memory_space<vmem>> -> memref<128xf32, #tpu.memory_space<vmem>>
      %dma_start3A_162 = arith.constant 2944 : i32
      %dma_start3A_163 = tpu.memref_slice %arg7[%dma_start3A_162] : memref<3200xi32, #tpu.memory_space<vmem>> -> memref<128xi32, #tpu.memory_space<vmem>>
      %dma_start3A_164 = arith.constant 0 : i32
      %dma_start3A_165 = tpu.memref_slice %arg3[%dma_start3A_164] : memref<1000000xf32, #tpu.memory_space<hbm>> -> memref<1000000xf32, #tpu.memory_space<hbm>>
      tpu.enqueue_indirect_dma source(%dma_start3A_165 : memref<1000000xf32, #tpu.memory_space<hbm>>) target(%dma_start3A_161 : memref<128xf32, #tpu.memory_space<vmem>>) offsets(%dma_start3A_163 : memref<128xi32, #tpu.memory_space<vmem>>) semaphore(%arg11 : memref<!tpu.dma_semaphore, #tpu.memory_space<semaphore_mem>>)
      %dma_start3A_166 = arith.constant 3072 : i32
      %dma_start3A_167 = tpu.memref_slice %arg8[%dma_start3A_166] : memref<3200xf32, #tpu.memory_space<vmem>> -> memref<128xf32, #tpu.memory_space<vmem>>
      %dma_start3A_168 = arith.constant 3072 : i32
      %dma_start3A_169 = tpu.memref_slice %arg7[%dma_start3A_168] : memref<3200xi32, #tpu.memory_space<vmem>> -> memref<128xi32, #tpu.memory_space<vmem>>
      %dma_start3A_170 = arith.constant 0 : i32
      %dma_start3A_171 = tpu.memref_slice %arg3[%dma_start3A_170] : memref<1000000xf32, #tpu.memory_space<hbm>> -> memref<1000000xf32, #tpu.memory_space<hbm>>
      tpu.enqueue_indirect_dma source(%dma_start3A_171 : memref<1000000xf32, #tpu.memory_space<hbm>>) target(%dma_start3A_167 : memref<128xf32, #tpu.memory_space<vmem>>) offsets(%dma_start3A_169 : memref<128xi32, #tpu.memory_space<vmem>>) semaphore(%arg11 : memref<!tpu.dma_semaphore, #tpu.memory_space<semaphore_mem>>)
      %dma_wait3A = arith.constant 0 : i32
      %dma_wait3A_172 = tpu.memref_slice %arg8[%dma_wait3A] : memref<3200xf32, #tpu.memory_space<vmem>> -> memref<128xf32, #tpu.memory_space<vmem>>
      %dma_wait3A_173 = arith.constant 0 : i32
      %dma_wait3A_174 = tpu.memref_slice %arg7[%dma_wait3A_173] : memref<3200xi32, #tpu.memory_space<vmem>> -> memref<128xi32, #tpu.memory_space<vmem>>
      %dma_wait3A_175 = arith.constant 0 : i32
      %dma_wait3A_176 = tpu.memref_slice %arg3[%dma_wait3A_175] : memref<1000000xf32, #tpu.memory_space<hbm>> -> memref<1000000xf32, #tpu.memory_space<hbm>>
      tpu.wait_indirect_dma semaphore(%arg11 : memref<!tpu.dma_semaphore, #tpu.memory_space<semaphore_mem>>) src(%dma_wait3A_176 : memref<1000000xf32, #tpu.memory_space<hbm>>) dst(%dma_wait3A_172 : memref<128xf32, #tpu.memory_space<vmem>>)
      %dma_wait3A_177 = arith.constant 128 : i32
      %dma_wait3A_178 = tpu.memref_slice %arg8[%dma_wait3A_177] : memref<3200xf32, #tpu.memory_space<vmem>> -> memref<128xf32, #tpu.memory_space<vmem>>
      %dma_wait3A_179 = arith.constant 128 : i32
      %dma_wait3A_180 = tpu.memref_slice %arg7[%dma_wait3A_179] : memref<3200xi32, #tpu.memory_space<vmem>> -> memref<128xi32, #tpu.memory_space<vmem>>
      %dma_wait3A_181 = arith.constant 0 : i32
      %dma_wait3A_182 = tpu.memref_slice %arg3[%dma_wait3A_181] : memref<1000000xf32, #tpu.memory_space<hbm>> -> memref<1000000xf32, #tpu.memory_space<hbm>>
      tpu.wait_indirect_dma semaphore(%arg11 : memref<!tpu.dma_semaphore, #tpu.memory_space<semaphore_mem>>) src(%dma_wait3A_182 : memref<1000000xf32, #tpu.memory_space<hbm>>) dst(%dma_wait3A_178 : memref<128xf32, #tpu.memory_space<vmem>>)
      %dma_wait3A_183 = arith.constant 256 : i32
      %dma_wait3A_184 = tpu.memref_slice %arg8[%dma_wait3A_183] : memref<3200xf32, #tpu.memory_space<vmem>> -> memref<128xf32, #tpu.memory_space<vmem>>
      %dma_wait3A_185 = arith.constant 256 : i32
      %dma_wait3A_186 = tpu.memref_slice %arg7[%dma_wait3A_185] : memref<3200xi32, #tpu.memory_space<vmem>> -> memref<128xi32, #tpu.memory_space<vmem>>
      %dma_wait3A_187 = arith.constant 0 : i32
      %dma_wait3A_188 = tpu.memref_slice %arg3[%dma_wait3A_187] : memref<1000000xf32, #tpu.memory_space<hbm>> -> memref<1000000xf32, #tpu.memory_space<hbm>>
      tpu.wait_indirect_dma semaphore(%arg11 : memref<!tpu.dma_semaphore, #tpu.memory_space<semaphore_mem>>) src(%dma_wait3A_188 : memref<1000000xf32, #tpu.memory_space<hbm>>) dst(%dma_wait3A_184 : memref<128xf32, #tpu.memory_space<vmem>>)
      %dma_wait3A_189 = arith.constant 384 : i32
      %dma_wait3A_190 = tpu.memref_slice %arg8[%dma_wait3A_189] : memref<3200xf32, #tpu.memory_space<vmem>> -> memref<128xf32, #tpu.memory_space<vmem>>
      %dma_wait3A_191 = arith.constant 384 : i32
      %dma_wait3A_192 = tpu.memref_slice %arg7[%dma_wait3A_191] : memref<3200xi32, #tpu.memory_space<vmem>> -> memref<128xi32, #tpu.memory_space<vmem>>
      %dma_wait3A_193 = arith.constant 0 : i32
      %dma_wait3A_194 = tpu.memref_slice %arg3[%dma_wait3A_193] : memref<1000000xf32, #tpu.memory_space<hbm>> -> memref<1000000xf32, #tpu.memory_space<hbm>>
      tpu.wait_indirect_dma semaphore(%arg11 : memref<!tpu.dma_semaphore, #tpu.memory_space<semaphore_mem>>) src(%dma_wait3A_194 : memref<1000000xf32, #tpu.memory_space<hbm>>) dst(%dma_wait3A_190 : memref<128xf32, #tpu.memory_space<vmem>>)
      %dma_wait3A_195 = arith.constant 512 : i32
      %dma_wait3A_196 = tpu.memref_slice %arg8[%dma_wait3A_195] : memref<3200xf32, #tpu.memory_space<vmem>> -> memref<128xf32, #tpu.memory_space<vmem>>
      %dma_wait3A_197 = arith.constant 512 : i32
      %dma_wait3A_198 = tpu.memref_slice %arg7[%dma_wait3A_197] : memref<3200xi32, #tpu.memory_space<vmem>> -> memref<128xi32, #tpu.memory_space<vmem>>
      %dma_wait3A_199 = arith.constant 0 : i32
      %dma_wait3A_200 = tpu.memref_slice %arg3[%dma_wait3A_199] : memref<1000000xf32, #tpu.memory_space<hbm>> -> memref<1000000xf32, #tpu.memory_space<hbm>>
      tpu.wait_indirect_dma semaphore(%arg11 : memref<!tpu.dma_semaphore, #tpu.memory_space<semaphore_mem>>) src(%dma_wait3A_200 : memref<1000000xf32, #tpu.memory_space<hbm>>) dst(%dma_wait3A_196 : memref<128xf32, #tpu.memory_space<vmem>>)
      %dma_wait3A_201 = arith.constant 640 : i32
      %dma_wait3A_202 = tpu.memref_slice %arg8[%dma_wait3A_201] : memref<3200xf32, #tpu.memory_space<vmem>> -> memref<128xf32, #tpu.memory_space<vmem>>
      %dma_wait3A_203 = arith.constant 640 : i32
      %dma_wait3A_204 = tpu.memref_slice %arg7[%dma_wait3A_203] : memref<3200xi32, #tpu.memory_space<vmem>> -> memref<128xi32, #tpu.memory_space<vmem>>
      %dma_wait3A_205 = arith.constant 0 : i32
      %dma_wait3A_206 = tpu.memref_slice %arg3[%dma_wait3A_205] : memref<1000000xf32, #tpu.memory_space<hbm>> -> memref<1000000xf32, #tpu.memory_space<hbm>>
      tpu.wait_indirect_dma semaphore(%arg11 : memref<!tpu.dma_semaphore, #tpu.memory_space<semaphore_mem>>) src(%dma_wait3A_206 : memref<1000000xf32, #tpu.memory_space<hbm>>) dst(%dma_wait3A_202 : memref<128xf32, #tpu.memory_space<vmem>>)
      %dma_wait3A_207 = arith.constant 768 : i32
      %dma_wait3A_208 = tpu.memref_slice %arg8[%dma_wait3A_207] : memref<3200xf32, #tpu.memory_space<vmem>> -> memref<128xf32, #tpu.memory_space<vmem>>
      %dma_wait3A_209 = arith.constant 768 : i32
      %dma_wait3A_210 = tpu.memref_slice %arg7[%dma_wait3A_209] : memref<3200xi32, #tpu.memory_space<vmem>> -> memref<128xi32, #tpu.memory_space<vmem>>
      %dma_wait3A_211 = arith.constant 0 : i32
      %dma_wait3A_212 = tpu.memref_slice %arg3[%dma_wait3A_211] : memref<1000000xf32, #tpu.memory_space<hbm>> -> memref<1000000xf32, #tpu.memory_space<hbm>>
      tpu.wait_indirect_dma semaphore(%arg11 : memref<!tpu.dma_semaphore, #tpu.memory_space<semaphore_mem>>) src(%dma_wait3A_212 : memref<1000000xf32, #tpu.memory_space<hbm>>) dst(%dma_wait3A_208 : memref<128xf32, #tpu.memory_space<vmem>>)
      %dma_wait3A_213 = arith.constant 896 : i32
      %dma_wait3A_214 = tpu.memref_slice %arg8[%dma_wait3A_213] : memref<3200xf32, #tpu.memory_space<vmem>> -> memref<128xf32, #tpu.memory_space<vmem>>
      %dma_wait3A_215 = arith.constant 896 : i32
      %dma_wait3A_216 = tpu.memref_slice %arg7[%dma_wait3A_215] : memref<3200xi32, #tpu.memory_space<vmem>> -> memref<128xi32, #tpu.memory_space<vmem>>
      %dma_wait3A_217 = arith.constant 0 : i32
      %dma_wait3A_218 = tpu.memref_slice %arg3[%dma_wait3A_217] : memref<1000000xf32, #tpu.memory_space<hbm>> -> memref<1000000xf32, #tpu.memory_space<hbm>>
      tpu.wait_indirect_dma semaphore(%arg11 : memref<!tpu.dma_semaphore, #tpu.memory_space<semaphore_mem>>) src(%dma_wait3A_218 : memref<1000000xf32, #tpu.memory_space<hbm>>) dst(%dma_wait3A_214 : memref<128xf32, #tpu.memory_space<vmem>>)
      %dma_wait3A_219 = arith.constant 1024 : i32
      %dma_wait3A_220 = tpu.memref_slice %arg8[%dma_wait3A_219] : memref<3200xf32, #tpu.memory_space<vmem>> -> memref<128xf32, #tpu.memory_space<vmem>>
      %dma_wait3A_221 = arith.constant 1024 : i32
      %dma_wait3A_222 = tpu.memref_slice %arg7[%dma_wait3A_221] : memref<3200xi32, #tpu.memory_space<vmem>> -> memref<128xi32, #tpu.memory_space<vmem>>
      %dma_wait3A_223 = arith.constant 0 : i32
      %dma_wait3A_224 = tpu.memref_slice %arg3[%dma_wait3A_223] : memref<1000000xf32, #tpu.memory_space<hbm>> -> memref<1000000xf32, #tpu.memory_space<hbm>>
      tpu.wait_indirect_dma semaphore(%arg11 : memref<!tpu.dma_semaphore, #tpu.memory_space<semaphore_mem>>) src(%dma_wait3A_224 : memref<1000000xf32, #tpu.memory_space<hbm>>) dst(%dma_wait3A_220 : memref<128xf32, #tpu.memory_space<vmem>>)
      %dma_wait3A_225 = arith.constant 1152 : i32
      %dma_wait3A_226 = tpu.memref_slice %arg8[%dma_wait3A_225] : memref<3200xf32, #tpu.memory_space<vmem>> -> memref<128xf32, #tpu.memory_space<vmem>>
      %dma_wait3A_227 = arith.constant 1152 : i32
      %dma_wait3A_228 = tpu.memref_slice %arg7[%dma_wait3A_227] : memref<3200xi32, #tpu.memory_space<vmem>> -> memref<128xi32, #tpu.memory_space<vmem>>
      %dma_wait3A_229 = arith.constant 0 : i32
      %dma_wait3A_230 = tpu.memref_slice %arg3[%dma_wait3A_229] : memref<1000000xf32, #tpu.memory_space<hbm>> -> memref<1000000xf32, #tpu.memory_space<hbm>>
      tpu.wait_indirect_dma semaphore(%arg11 : memref<!tpu.dma_semaphore, #tpu.memory_space<semaphore_mem>>) src(%dma_wait3A_230 : memref<1000000xf32, #tpu.memory_space<hbm>>) dst(%dma_wait3A_226 : memref<128xf32, #tpu.memory_space<vmem>>)
      %dma_wait3A_231 = arith.constant 1280 : i32
      %dma_wait3A_232 = tpu.memref_slice %arg8[%dma_wait3A_231] : memref<3200xf32, #tpu.memory_space<vmem>> -> memref<128xf32, #tpu.memory_space<vmem>>
      %dma_wait3A_233 = arith.constant 1280 : i32
      %dma_wait3A_234 = tpu.memref_slice %arg7[%dma_wait3A_233] : memref<3200xi32, #tpu.memory_space<vmem>> -> memref<128xi32, #tpu.memory_space<vmem>>
      %dma_wait3A_235 = arith.constant 0 : i32
      %dma_wait3A_236 = tpu.memref_slice %arg3[%dma_wait3A_235] : memref<1000000xf32, #tpu.memory_space<hbm>> -> memref<1000000xf32, #tpu.memory_space<hbm>>
      tpu.wait_indirect_dma semaphore(%arg11 : memref<!tpu.dma_semaphore, #tpu.memory_space<semaphore_mem>>) src(%dma_wait3A_236 : memref<1000000xf32, #tpu.memory_space<hbm>>) dst(%dma_wait3A_232 : memref<128xf32, #tpu.memory_space<vmem>>)
      %dma_wait3A_237 = arith.constant 1408 : i32
      %dma_wait3A_238 = tpu.memref_slice %arg8[%dma_wait3A_237] : memref<3200xf32, #tpu.memory_space<vmem>> -> memref<128xf32, #tpu.memory_space<vmem>>
      %dma_wait3A_239 = arith.constant 1408 : i32
      %dma_wait3A_240 = tpu.memref_slice %arg7[%dma_wait3A_239] : memref<3200xi32, #tpu.memory_space<vmem>> -> memref<128xi32, #tpu.memory_space<vmem>>
      %dma_wait3A_241 = arith.constant 0 : i32
      %dma_wait3A_242 = tpu.memref_slice %arg3[%dma_wait3A_241] : memref<1000000xf32, #tpu.memory_space<hbm>> -> memref<1000000xf32, #tpu.memory_space<hbm>>
      tpu.wait_indirect_dma semaphore(%arg11 : memref<!tpu.dma_semaphore, #tpu.memory_space<semaphore_mem>>) src(%dma_wait3A_242 : memref<1000000xf32, #tpu.memory_space<hbm>>) dst(%dma_wait3A_238 : memref<128xf32, #tpu.memory_space<vmem>>)
      %dma_wait3A_243 = arith.constant 1536 : i32
      %dma_wait3A_244 = tpu.memref_slice %arg8[%dma_wait3A_243] : memref<3200xf32, #tpu.memory_space<vmem>> -> memref<128xf32, #tpu.memory_space<vmem>>
      %dma_wait3A_245 = arith.constant 1536 : i32
      %dma_wait3A_246 = tpu.memref_slice %arg7[%dma_wait3A_245] : memref<3200xi32, #tpu.memory_space<vmem>> -> memref<128xi32, #tpu.memory_space<vmem>>
      %dma_wait3A_247 = arith.constant 0 : i32
      %dma_wait3A_248 = tpu.memref_slice %arg3[%dma_wait3A_247] : memref<1000000xf32, #tpu.memory_space<hbm>> -> memref<1000000xf32, #tpu.memory_space<hbm>>
      tpu.wait_indirect_dma semaphore(%arg11 : memref<!tpu.dma_semaphore, #tpu.memory_space<semaphore_mem>>) src(%dma_wait3A_248 : memref<1000000xf32, #tpu.memory_space<hbm>>) dst(%dma_wait3A_244 : memref<128xf32, #tpu.memory_space<vmem>>)
      %dma_wait3A_249 = arith.constant 1664 : i32
      %dma_wait3A_250 = tpu.memref_slice %arg8[%dma_wait3A_249] : memref<3200xf32, #tpu.memory_space<vmem>> -> memref<128xf32, #tpu.memory_space<vmem>>
      %dma_wait3A_251 = arith.constant 1664 : i32
      %dma_wait3A_252 = tpu.memref_slice %arg7[%dma_wait3A_251] : memref<3200xi32, #tpu.memory_space<vmem>> -> memref<128xi32, #tpu.memory_space<vmem>>
      %dma_wait3A_253 = arith.constant 0 : i32
      %dma_wait3A_254 = tpu.memref_slice %arg3[%dma_wait3A_253] : memref<1000000xf32, #tpu.memory_space<hbm>> -> memref<1000000xf32, #tpu.memory_space<hbm>>
      tpu.wait_indirect_dma semaphore(%arg11 : memref<!tpu.dma_semaphore, #tpu.memory_space<semaphore_mem>>) src(%dma_wait3A_254 : memref<1000000xf32, #tpu.memory_space<hbm>>) dst(%dma_wait3A_250 : memref<128xf32, #tpu.memory_space<vmem>>)
      %dma_wait3A_255 = arith.constant 1792 : i32
      %dma_wait3A_256 = tpu.memref_slice %arg8[%dma_wait3A_255] : memref<3200xf32, #tpu.memory_space<vmem>> -> memref<128xf32, #tpu.memory_space<vmem>>
      %dma_wait3A_257 = arith.constant 1792 : i32
      %dma_wait3A_258 = tpu.memref_slice %arg7[%dma_wait3A_257] : memref<3200xi32, #tpu.memory_space<vmem>> -> memref<128xi32, #tpu.memory_space<vmem>>
      %dma_wait3A_259 = arith.constant 0 : i32
      %dma_wait3A_260 = tpu.memref_slice %arg3[%dma_wait3A_259] : memref<1000000xf32, #tpu.memory_space<hbm>> -> memref<1000000xf32, #tpu.memory_space<hbm>>
      tpu.wait_indirect_dma semaphore(%arg11 : memref<!tpu.dma_semaphore, #tpu.memory_space<semaphore_mem>>) src(%dma_wait3A_260 : memref<1000000xf32, #tpu.memory_space<hbm>>) dst(%dma_wait3A_256 : memref<128xf32, #tpu.memory_space<vmem>>)
      %dma_wait3A_261 = arith.constant 1920 : i32
      %dma_wait3A_262 = tpu.memref_slice %arg8[%dma_wait3A_261] : memref<3200xf32, #tpu.memory_space<vmem>> -> memref<128xf32, #tpu.memory_space<vmem>>
      %dma_wait3A_263 = arith.constant 1920 : i32
      %dma_wait3A_264 = tpu.memref_slice %arg7[%dma_wait3A_263] : memref<3200xi32, #tpu.memory_space<vmem>> -> memref<128xi32, #tpu.memory_space<vmem>>
      %dma_wait3A_265 = arith.constant 0 : i32
      %dma_wait3A_266 = tpu.memref_slice %arg3[%dma_wait3A_265] : memref<1000000xf32, #tpu.memory_space<hbm>> -> memref<1000000xf32, #tpu.memory_space<hbm>>
      tpu.wait_indirect_dma semaphore(%arg11 : memref<!tpu.dma_semaphore, #tpu.memory_space<semaphore_mem>>) src(%dma_wait3A_266 : memref<1000000xf32, #tpu.memory_space<hbm>>) dst(%dma_wait3A_262 : memref<128xf32, #tpu.memory_space<vmem>>)
      %dma_wait3A_267 = arith.constant 2048 : i32
      %dma_wait3A_268 = tpu.memref_slice %arg8[%dma_wait3A_267] : memref<3200xf32, #tpu.memory_space<vmem>> -> memref<128xf32, #tpu.memory_space<vmem>>
      %dma_wait3A_269 = arith.constant 2048 : i32
      %dma_wait3A_270 = tpu.memref_slice %arg7[%dma_wait3A_269] : memref<3200xi32, #tpu.memory_space<vmem>> -> memref<128xi32, #tpu.memory_space<vmem>>
      %dma_wait3A_271 = arith.constant 0 : i32
      %dma_wait3A_272 = tpu.memref_slice %arg3[%dma_wait3A_271] : memref<1000000xf32, #tpu.memory_space<hbm>> -> memref<1000000xf32, #tpu.memory_space<hbm>>
      tpu.wait_indirect_dma semaphore(%arg11 : memref<!tpu.dma_semaphore, #tpu.memory_space<semaphore_mem>>) src(%dma_wait3A_272 : memref<1000000xf32, #tpu.memory_space<hbm>>) dst(%dma_wait3A_268 : memref<128xf32, #tpu.memory_space<vmem>>)
      %dma_wait3A_273 = arith.constant 2176 : i32
      %dma_wait3A_274 = tpu.memref_slice %arg8[%dma_wait3A_273] : memref<3200xf32, #tpu.memory_space<vmem>> -> memref<128xf32, #tpu.memory_space<vmem>>
      %dma_wait3A_275 = arith.constant 2176 : i32
      %dma_wait3A_276 = tpu.memref_slice %arg7[%dma_wait3A_275] : memref<3200xi32, #tpu.memory_space<vmem>> -> memref<128xi32, #tpu.memory_space<vmem>>
      %dma_wait3A_277 = arith.constant 0 : i32
      %dma_wait3A_278 = tpu.memref_slice %arg3[%dma_wait3A_277] : memref<1000000xf32, #tpu.memory_space<hbm>> -> memref<1000000xf32, #tpu.memory_space<hbm>>
      tpu.wait_indirect_dma semaphore(%arg11 : memref<!tpu.dma_semaphore, #tpu.memory_space<semaphore_mem>>) src(%dma_wait3A_278 : memref<1000000xf32, #tpu.memory_space<hbm>>) dst(%dma_wait3A_274 : memref<128xf32, #tpu.memory_space<vmem>>)
      %dma_wait3A_279 = arith.constant 2304 : i32
      %dma_wait3A_280 = tpu.memref_slice %arg8[%dma_wait3A_279] : memref<3200xf32, #tpu.memory_space<vmem>> -> memref<128xf32, #tpu.memory_space<vmem>>
      %dma_wait3A_281 = arith.constant 2304 : i32
      %dma_wait3A_282 = tpu.memref_slice %arg7[%dma_wait3A_281] : memref<3200xi32, #tpu.memory_space<vmem>> -> memref<128xi32, #tpu.memory_space<vmem>>
      %dma_wait3A_283 = arith.constant 0 : i32
      %dma_wait3A_284 = tpu.memref_slice %arg3[%dma_wait3A_283] : memref<1000000xf32, #tpu.memory_space<hbm>> -> memref<1000000xf32, #tpu.memory_space<hbm>>
      tpu.wait_indirect_dma semaphore(%arg11 : memref<!tpu.dma_semaphore, #tpu.memory_space<semaphore_mem>>) src(%dma_wait3A_284 : memref<1000000xf32, #tpu.memory_space<hbm>>) dst(%dma_wait3A_280 : memref<128xf32, #tpu.memory_space<vmem>>)
      %dma_wait3A_285 = arith.constant 2432 : i32
      %dma_wait3A_286 = tpu.memref_slice %arg8[%dma_wait3A_285] : memref<3200xf32, #tpu.memory_space<vmem>> -> memref<128xf32, #tpu.memory_space<vmem>>
      %dma_wait3A_287 = arith.constant 2432 : i32
      %dma_wait3A_288 = tpu.memref_slice %arg7[%dma_wait3A_287] : memref<3200xi32, #tpu.memory_space<vmem>> -> memref<128xi32, #tpu.memory_space<vmem>>
      %dma_wait3A_289 = arith.constant 0 : i32
      %dma_wait3A_290 = tpu.memref_slice %arg3[%dma_wait3A_289] : memref<1000000xf32, #tpu.memory_space<hbm>> -> memref<1000000xf32, #tpu.memory_space<hbm>>
      tpu.wait_indirect_dma semaphore(%arg11 : memref<!tpu.dma_semaphore, #tpu.memory_space<semaphore_mem>>) src(%dma_wait3A_290 : memref<1000000xf32, #tpu.memory_space<hbm>>) dst(%dma_wait3A_286 : memref<128xf32, #tpu.memory_space<vmem>>)
      %dma_wait3A_291 = arith.constant 2560 : i32
      %dma_wait3A_292 = tpu.memref_slice %arg8[%dma_wait3A_291] : memref<3200xf32, #tpu.memory_space<vmem>> -> memref<128xf32, #tpu.memory_space<vmem>>
      %dma_wait3A_293 = arith.constant 2560 : i32
      %dma_wait3A_294 = tpu.memref_slice %arg7[%dma_wait3A_293] : memref<3200xi32, #tpu.memory_space<vmem>> -> memref<128xi32, #tpu.memory_space<vmem>>
      %dma_wait3A_295 = arith.constant 0 : i32
      %dma_wait3A_296 = tpu.memref_slice %arg3[%dma_wait3A_295] : memref<1000000xf32, #tpu.memory_space<hbm>> -> memref<1000000xf32, #tpu.memory_space<hbm>>
      tpu.wait_indirect_dma semaphore(%arg11 : memref<!tpu.dma_semaphore, #tpu.memory_space<semaphore_mem>>) src(%dma_wait3A_296 : memref<1000000xf32, #tpu.memory_space<hbm>>) dst(%dma_wait3A_292 : memref<128xf32, #tpu.memory_space<vmem>>)
      %dma_wait3A_297 = arith.constant 2688 : i32
      %dma_wait3A_298 = tpu.memref_slice %arg8[%dma_wait3A_297] : memref<3200xf32, #tpu.memory_space<vmem>> -> memref<128xf32, #tpu.memory_space<vmem>>
      %dma_wait3A_299 = arith.constant 2688 : i32
      %dma_wait3A_300 = tpu.memref_slice %arg7[%dma_wait3A_299] : memref<3200xi32, #tpu.memory_space<vmem>> -> memref<128xi32, #tpu.memory_space<vmem>>
      %dma_wait3A_301 = arith.constant 0 : i32
      %dma_wait3A_302 = tpu.memref_slice %arg3[%dma_wait3A_301] : memref<1000000xf32, #tpu.memory_space<hbm>> -> memref<1000000xf32, #tpu.memory_space<hbm>>
      tpu.wait_indirect_dma semaphore(%arg11 : memref<!tpu.dma_semaphore, #tpu.memory_space<semaphore_mem>>) src(%dma_wait3A_302 : memref<1000000xf32, #tpu.memory_space<hbm>>) dst(%dma_wait3A_298 : memref<128xf32, #tpu.memory_space<vmem>>)
      %dma_wait3A_303 = arith.constant 2816 : i32
      %dma_wait3A_304 = tpu.memref_slice %arg8[%dma_wait3A_303] : memref<3200xf32, #tpu.memory_space<vmem>> -> memref<128xf32, #tpu.memory_space<vmem>>
      %dma_wait3A_305 = arith.constant 2816 : i32
      %dma_wait3A_306 = tpu.memref_slice %arg7[%dma_wait3A_305] : memref<3200xi32, #tpu.memory_space<vmem>> -> memref<128xi32, #tpu.memory_space<vmem>>
      %dma_wait3A_307 = arith.constant 0 : i32
      %dma_wait3A_308 = tpu.memref_slice %arg3[%dma_wait3A_307] : memref<1000000xf32, #tpu.memory_space<hbm>> -> memref<1000000xf32, #tpu.memory_space<hbm>>
      tpu.wait_indirect_dma semaphore(%arg11 : memref<!tpu.dma_semaphore, #tpu.memory_space<semaphore_mem>>) src(%dma_wait3A_308 : memref<1000000xf32, #tpu.memory_space<hbm>>) dst(%dma_wait3A_304 : memref<128xf32, #tpu.memory_space<vmem>>)
      %dma_wait3A_309 = arith.constant 2944 : i32
      %dma_wait3A_310 = tpu.memref_slice %arg8[%dma_wait3A_309] : memref<3200xf32, #tpu.memory_space<vmem>> -> memref<128xf32, #tpu.memory_space<vmem>>
      %dma_wait3A_311 = arith.constant 2944 : i32
      %dma_wait3A_312 = tpu.memref_slice %arg7[%dma_wait3A_311] : memref<3200xi32, #tpu.memory_space<vmem>> -> memref<128xi32, #tpu.memory_space<vmem>>
      %dma_wait3A_313 = arith.constant 0 : i32
      %dma_wait3A_314 = tpu.memref_slice %arg3[%dma_wait3A_313] : memref<1000000xf32, #tpu.memory_space<hbm>> -> memref<1000000xf32, #tpu.memory_space<hbm>>
      tpu.wait_indirect_dma semaphore(%arg11 : memref<!tpu.dma_semaphore, #tpu.memory_space<semaphore_mem>>) src(%dma_wait3A_314 : memref<1000000xf32, #tpu.memory_space<hbm>>) dst(%dma_wait3A_310 : memref<128xf32, #tpu.memory_space<vmem>>)
      %dma_wait3A_315 = arith.constant 3072 : i32
      %dma_wait3A_316 = tpu.memref_slice %arg8[%dma_wait3A_315] : memref<3200xf32, #tpu.memory_space<vmem>> -> memref<128xf32, #tpu.memory_space<vmem>>
      %dma_wait3A_317 = arith.constant 3072 : i32
      %dma_wait3A_318 = tpu.memref_slice %arg7[%dma_wait3A_317] : memref<3200xi32, #tpu.memory_space<vmem>> -> memref<128xi32, #tpu.memory_space<vmem>>
      %dma_wait3A_319 = arith.constant 0 : i32
      %dma_wait3A_320 = tpu.memref_slice %arg3[%dma_wait3A_319] : memref<1000000xf32, #tpu.memory_space<hbm>> -> memref<1000000xf32, #tpu.memory_space<hbm>>
      tpu.wait_indirect_dma semaphore(%arg11 : memref<!tpu.dma_semaphore, #tpu.memory_space<semaphore_mem>>) src(%dma_wait3A_320 : memref<1000000xf32, #tpu.memory_space<hbm>>) dst(%dma_wait3A_316 : memref<128xf32, #tpu.memory_space<vmem>>)
      %broadcast_in_dim3A = arith.constant 0.000000e+00 : f32
      %broadcast_in_dim3A_321 = vector.broadcast %broadcast_in_dim3A : f32 to vector<16xf32>
      %scan3A_322 = arith.constant 0 : i32
      %scan3A_323 = arith.constant 25 : i32
      %scan3A_324 = arith.addi %scan3A_322, %scan3A_323 : i32
      %scan3A_325 = arith.constant 1 : i32
      %scan3A_326 = scf.for %scan3A_341 = %scan3A_322 to %scan3A_324 step %scan3A_325 iter_args(%scan3A_342 = %broadcast_in_dim3A_321) -> (vector<16xf32>)  : i32 {
        %mul3A_343 = arith.constant 8 : i32
        %mul3A_344 = arith.muli %scan3A_341, %mul3A_343 : i32
        %add3A_345 = arith.constant 0 : i32
        %add3A_346 = arith.addi %mul3A_344, %add3A_345 : i32
        %mul3A_347 = arith.constant 16 : i32
        %mul3A_348 = arith.muli %add3A_346, %mul3A_347 : i32
        %get3A_349 = arith.index_cast %mul3A_348 : i32 to index
        %get3A_350 = tpu.vector_load %arg8[%get3A_349] {strides = array<i32>} : memref<3200xf32, #tpu.memory_space<vmem>>, vector<16xf32>,
        %add3A_351 = arith.addf %scan3A_342, %get3A_350 : vector<16xf32>
        %mul3A_352 = arith.constant 8 : i32
        %mul3A_353 = arith.muli %scan3A_341, %mul3A_352 : i32
        %add3A_354 = arith.constant 1 : i32
        %add3A_355 = arith.addi %mul3A_353, %add3A_354 : i32
        %mul3A_356 = arith.constant 16 : i32
        %mul3A_357 = arith.muli %add3A_355, %mul3A_356 : i32
        %get3A_358 = arith.index_cast %mul3A_357 : i32 to index
        %get3A_359 = tpu.vector_load %arg8[%get3A_358] {strides = array<i32>} : memref<3200xf32, #tpu.memory_space<vmem>>, vector<16xf32>,
        %add3A_360 = arith.addf %add3A_351, %get3A_359 : vector<16xf32>
        %mul3A_361 = arith.constant 8 : i32
        %mul3A_362 = arith.muli %scan3A_341, %mul3A_361 : i32
        %add3A_363 = arith.constant 2 : i32
        %add3A_364 = arith.addi %mul3A_362, %add3A_363 : i32
        %mul3A_365 = arith.constant 16 : i32
        %mul3A_366 = arith.muli %add3A_364, %mul3A_365 : i32
        %get3A_367 = arith.index_cast %mul3A_366 : i32 to index
        %get3A_368 = tpu.vector_load %arg8[%get3A_367] {strides = array<i32>} : memref<3200xf32, #tpu.memory_space<vmem>>, vector<16xf32>,
        %add3A_369 = arith.addf %add3A_360, %get3A_368 : vector<16xf32>
        %mul3A_370 = arith.constant 8 : i32
        %mul3A_371 = arith.muli %scan3A_341, %mul3A_370 : i32
        %add3A_372 = arith.constant 3 : i32
        %add3A_373 = arith.addi %mul3A_371, %add3A_372 : i32
        %mul3A_374 = arith.constant 16 : i32
        %mul3A_375 = arith.muli %add3A_373, %mul3A_374 : i32
        %get3A_376 = arith.index_cast %mul3A_375 : i32 to index
        %get3A_377 = tpu.vector_load %arg8[%get3A_376] {strides = array<i32>} : memref<3200xf32, #tpu.memory_space<vmem>>, vector<16xf32>,
        %add3A_378 = arith.addf %add3A_369, %get3A_377 : vector<16xf32>
        %mul3A_379 = arith.constant 8 : i32
        %mul3A_380 = arith.muli %scan3A_341, %mul3A_379 : i32
        %add3A_381 = arith.constant 4 : i32
        %add3A_382 = arith.addi %mul3A_380, %add3A_381 : i32
        %mul3A_383 = arith.constant 16 : i32
        %mul3A_384 = arith.muli %add3A_382, %mul3A_383 : i32
        %get3A_385 = arith.index_cast %mul3A_384 : i32 to index
        %get3A_386 = tpu.vector_load %arg8[%get3A_385] {strides = array<i32>} : memref<3200xf32, #tpu.memory_space<vmem>>, vector<16xf32>,
        %add3A_387 = arith.addf %add3A_378, %get3A_386 : vector<16xf32>
        %mul3A_388 = arith.constant 8 : i32
        %mul3A_389 = arith.muli %scan3A_341, %mul3A_388 : i32
        %add3A_390 = arith.constant 5 : i32
        %add3A_391 = arith.addi %mul3A_389, %add3A_390 : i32
        %mul3A_392 = arith.constant 16 : i32
        %mul3A_393 = arith.muli %add3A_391, %mul3A_392 : i32
        %get3A_394 = arith.index_cast %mul3A_393 : i32 to index
        %get3A_395 = tpu.vector_load %arg8[%get3A_394] {strides = array<i32>} : memref<3200xf32, #tpu.memory_space<vmem>>, vector<16xf32>,
        %add3A_396 = arith.addf %add3A_387, %get3A_395 : vector<16xf32>
        %mul3A_397 = arith.constant 8 : i32
        %mul3A_398 = arith.muli %scan3A_341, %mul3A_397 : i32
        %add3A_399 = arith.constant 6 : i32
        %add3A_400 = arith.addi %mul3A_398, %add3A_399 : i32
        %mul3A_401 = arith.constant 16 : i32
        %mul3A_402 = arith.muli %add3A_400, %mul3A_401 : i32
        %get3A_403 = arith.index_cast %mul3A_402 : i32 to index
        %get3A_404 = tpu.vector_load %arg8[%get3A_403] {strides = array<i32>} : memref<3200xf32, #tpu.memory_space<vmem>>, vector<16xf32>,
        %add3A_405 = arith.addf %add3A_396, %get3A_404 : vector<16xf32>
        %mul3A_406 = arith.constant 8 : i32
        %mul3A_407 = arith.muli %scan3A_341, %mul3A_406 : i32
        %add3A_408 = arith.constant 7 : i32
        %add3A_409 = arith.addi %mul3A_407, %add3A_408 : i32
        %mul3A_410 = arith.constant 16 : i32
        %mul3A_411 = arith.muli %add3A_409, %mul3A_410 : i32
        %get3A_412 = arith.index_cast %mul3A_411 : i32 to index
        %get3A_413 = tpu.vector_load %arg8[%get3A_412] {strides = array<i32>} : memref<3200xf32, #tpu.memory_space<vmem>>, vector<16xf32>,
        %add3A_414 = arith.addf %add3A_405, %get3A_413 : vector<16xf32>
        scf.yield %add3A_414 : vector<16xf32>
      }
      %scan3A_327 = arith.constant 25 : i32
      %mul3A_328 = arith.constant 5.000000e-03 : f32
      %mul3A_329 = vector.broadcast %mul3A_328 : f32 to vector<16xf32>
      %mul3A_330 = arith.mulf %scan3A_326, %mul3A_329 : vector<16xf32>
      %get3A = arith.constant 0 : index
      %get3A_331 = tpu.vector_load %arg10[%get3A] {strides = array<i32>} : memref<16xf32, #tpu.memory_space<vmem>>, vector<16xf32>,
      %add3A_332 = arith.addf %mul3A_330, %get3A_331 : vector<16xf32>
      %neg3A = arith.constant 0.000000e+00 : f32
      %neg3A_333 = vector.broadcast %neg3A : f32 to vector<16xf32>
      %neg3A_334 = arith.subf %neg3A_333, %add3A_332 : vector<16xf32>
      %exp3A = math.exp %neg3A_334 : vector<16xf32>
      %add3A_335 = arith.constant 1.000000e+00 : f32
      %add3A_336 = vector.broadcast %add3A_335 : f32 to vector<16xf32>
      %add3A_337 = arith.addf %add3A_336, %exp3A : vector<16xf32>
      %div3A = arith.constant 1.000000e+00 : f32
      %div3A_338 = vector.broadcast %div3A : f32 to vector<16xf32>
      %div3A_339 = arith.divf %div3A_338, %add3A_337 : vector<16xf32>
      %swap3A = arith.constant 0 : index
      %swap3A_340 = tpu.vector_load %arg9[%swap3A] {strides = array<i32>} : memref<16xf32, #tpu.memory_space<vmem>>, vector<16xf32>,
      tpu.vector_store %arg9[%swap3A], %div3A_339 {strides = array<i32>} : memref<16xf32, #tpu.memory_space<vmem>>, vector<16xf32>,
      "tpu.region"() ({
        %run_scoped3A = tpu.sem_alloc : memref<!tpu.dma_semaphore, #tpu.memory_space<semaphore_mem>>
        %dma_start3A_341 = tpu.memref_slice %arg5[%mul3A_14] : memref<4096xf32, #tpu.memory_space<hbm>> -> memref<16xf32, #tpu.memory_space<hbm>>
        %dma_start3A_342 = tpu.memref_slice %arg5[%mul3A_14] : memref<4096xf32, #tpu.memory_space<hbm>> -> memref<16xf32, #tpu.memory_space<hbm>>
        tpu.enqueue_dma source(%arg9 : memref<16xf32, #tpu.memory_space<vmem>>) target(%dma_start3A_342 : memref<16xf32, #tpu.memory_space<hbm>>) target_semaphore(%run_scoped3A : memref<!tpu.dma_semaphore, #tpu.memory_space<semaphore_mem>>)
        %dma_wait3A_343 = tpu.memref_slice %arg5[%mul3A_14] : memref<4096xf32, #tpu.memory_space<hbm>> -> memref<16xf32, #tpu.memory_space<hbm>>
        %dma_wait3A_344 = tpu.memref_slice %arg5[%mul3A_14] : memref<4096xf32, #tpu.memory_space<hbm>> -> memref<16xf32, #tpu.memory_space<hbm>>
        tpu.wait_dma2 semaphore(%run_scoped3A : memref<!tpu.dma_semaphore, #tpu.memory_space<semaphore_mem>>) src(%arg9 : memref<16xf32, #tpu.memory_space<vmem>>) dst(%dma_wait3A_344 : memref<16xf32, #tpu.memory_space<hbm>>)
        tpu.yield
      }) : () -> ()
    }
    %scan3A_8 = arith.constant 8 : i32
    return
  }
}

module attributes {stable_mosaic.version = 14 : i64} {
  func.func @_tv_body(%arg0: i32, %arg1: memref<10000x128xf32, #tpu.memory_space<vmem>>, %arg2: memref<1x128xf32, #tpu.memory_space<vmem>>, %arg3: memref<128x4xf32, #tpu.memory_space<vmem>>, %arg4: memref<10000x4xf32, #tpu.memory_space<vmem>>) attributes {dimension_semantics = [#tpu.dimension_semantics<arbitrary>], iteration_bounds = array<i64: 25>, scalar_prefetch = 0 : i64, scratch_operands = 0 : i64, tpu.core_type = #tpu.core_type<tc>, window_params = [{transform_indices = @transform_0, window_bounds = array<i64: 10000, 128>}, {pipeline_mode = #tpu.pipeline_mode<synchronous>, transform_indices = @transform_1, window_bounds = array<i64: 1, 128>}, {pipeline_mode = #tpu.pipeline_mode<synchronous>, transform_indices = @transform_2, window_bounds = array<i64: 128, 4>}, {transform_indices = @transform_3, window_bounds = array<i64: 10000, 4>}]} {
    %get3A = arith.constant 0 : index
    %get3A_0 = arith.constant 0 : index
    %get3A_1 = vector.load %arg1[%get3A, %get3A_0] : memref<10000x128xf32, #tpu.memory_space<vmem>>, vector<10000x128xf32>
    %get3A_2 = arith.constant 0 : index
    %get3A_3 = arith.constant 0 : index
    %get3A_4 = vector.load %arg2[%get3A_2, %get3A_3] : memref<1x128xf32, #tpu.memory_space<vmem>>, vector<1x128xf32>
    %mul3A = vector.broadcast %get3A_4 : vector<1x128xf32> to vector<10000x128xf32>
    %mul3A_5 = arith.mulf %get3A_1, %mul3A : vector<10000x128xf32>
    %get3A_6 = arith.constant 0 : index
    %get3A_7 = arith.constant 0 : index
    %get3A_8 = vector.load %arg3[%get3A_6, %get3A_7] : memref<128x4xf32, #tpu.memory_space<vmem>>, vector<128x4xf32>
    %dot_general3A = arith.constant dense<0.000000e+00> : vector<10000x4xf32>
    %dot_general3A_9 = tpu.matmul %mul3A_5, %get3A_8, %dot_general3A {dimension_numbers = #tpu.dot_dimension_numbers<[1], [0], [0], [1], [0, 0, 1, 1], [], []>, transpose_lhs_hint = false} : vector<10000x128xf32>, vector<128x4xf32>, vector<10000x4xf32> -> vector<10000x4xf32>
    %swap3A = arith.constant 0 : index
    %swap3A_10 = arith.constant 0 : index
    %swap3A_11 = vector.load %arg4[%swap3A, %swap3A_10] : memref<10000x4xf32, #tpu.memory_space<vmem>>, vector<10000x4xf32>
    tpu.vector_store %arg4[%swap3A, %swap3A_10], %dot_general3A_9 {strides = array<i32>} : memref<10000x4xf32, #tpu.memory_space<vmem>>, vector<10000x4xf32>,
    return
  }
  func.func @transform_0(%arg0: i32) -> (i32, i32) {
    %c0_i32 = arith.constant 0 : i32
    %c0_i32_0 = arith.constant 0 : i32
    return %arg0, %c0_i32 : i32, i32
  }
  func.func @transform_1(%arg0: i32) -> (i32, i32) {
    %c0_i32 = arith.constant 0 : i32
    %c0_i32_0 = arith.constant 0 : i32
    %c0_i32_1 = arith.constant 0 : i32
    return %c0_i32, %c0_i32_0 : i32, i32
  }
  func.func @transform_2(%arg0: i32) -> (i32, i32) {
    %c0_i32 = arith.constant 0 : i32
    %c0_i32_0 = arith.constant 0 : i32
    %c0_i32_1 = arith.constant 0 : i32
    return %c0_i32, %c0_i32_0 : i32, i32
  }
  func.func @transform_3(%arg0: i32) -> (i32, i32) {
    %c0_i32 = arith.constant 0 : i32
    %c0_i32_0 = arith.constant 0 : i32
    return %arg0, %c0_i32 : i32, i32
  }
}

</mosaic_0001>

<sc_bundles>
// kernel: kernel.4.cloned.1.call-start
scs
__scs_entry_jumppad:
0x0: {  	(pc) =	sbr.rel $0x88, $3  }
0x1: {  	(tag) =	ssettag $0x0;
	lr =	simm.s32 $0x1  }
0x2: {  	[smem:$0x3F9D] =	sst lr;
	_ =	strace $0xD0000000  }
0x3: {  	_ = 	snop  }
0x4: {  	_ = 	snop  }
0x5: {  	_ = 	snop  }
0x6: {  	_ = 	snop  }
0x7: {  	_ = 	snop  }
__scs_overlays_trampoline_lowered:
0x8: {  	[smem:$0x3FAC] =	sst s0  }
0x9: {  	[smem:$0x3FAD] =	sst s1  }
0xa: {  	[smem:$0x3FAE] =	sst s2  }
0xb: {  	[smem:$0x3FAF] =	sst s3  }
0xc: {  	[smem:$0x3FB0] =	sst s4  }
0xd: {  	[smem:$0x3FB1] =	sst s5  }
0xe: {  	[smem:$0x3FB2] =	sst s6  }
0xf: {  	[smem:$0x3FB3] =	sst s7  }
0x10: {  	[smem:$0x3FB4] =	sst s8  }
0x11: {  	[smem:$0x3FB5] =	sst s9;
	s0 =	simm.s32 @!p0 $0x0  }
0x12: {  	s1 =	sld [smem:$0x3F9B];
	s0 =	simm.s32 @p0 $0x1  }
0x13: {  	[smem:$0x3FB6] =	sst s0;
	s0 =	simm.s32 @!p1 $0x0  }
0x14: {  	s2 =	sld [smem:$0x3F9A];
	s0 =	simm.s32 @p1 $0x1  }
0x15: {  	[smem:$0x3FB7] =	sst s0;
	s0 =	simm.s32 @!p2 $0x0  }
0x16: {  	s3 =	sld [smem:$0x3FDB];
	s0 =	simm.s32 @p2 $0x1  }
0x17: {  	s4 =	simm.s32 $0x1BF5;
	[smem:$0x3FB9] =	sst s0  }
0x18: {  	s0 =	sld [smem:$0x3F9C];
	_ =	swait.ge [sflag:s4], $0x0  }
0x19: {  	s7 =	sld [smem:$0x3F9D]  }
0x1a: {  	s8 =	sadd.s32 $0xFFFFE003, lr  }
0x1b: {  	s9 =	sadd.s32 $0xFFFFFEF7, lr;
	s5 =	simm.s32 $0xFFFFFFFF;
	p2 =	slt.u32 s8, $0xFFFFF086  }
0x1c: {  	p1 =	slt.u32 s9, $0xF7A;
	s5 =	simm.s32 @!p2 $0x0  }
0x1d: {  	s5 =	simm.s32 @p1 $0x1;
	p0 =	seq.s32 s7, s2  }
0x1e: {  	s7 =	smul.u32 @!p0 $0xF7A, s2;
	p2 =	seq.s32 @!p0 s5, $0x0  }
0x1f: {  	s9 =	smul.u32 $0xF7A, s1;
	s8 =	simm.s32 @!p0 $0x1BF5;
	p2 =	por !p2, p0  }
0x20: {  	[sflag:s8] =	ssyncset.s32 @!p0 $0xFFFFF086;
	s6 =	sadd.s32 @!p0 s3, s7;
	s7 =	simm.s32 @!p0 $0x108  }
0x21: {  	s3 =	sadd.s32 s3, s9;
	s6 =	sadd.s32 @!p0 $0x88, s6;
	s7 =	simm.s32 @p2 $0x1082  }
0x22: {  	[simem:s7], [sflag:s8] =	dma.local @!p0 [hbm:s6], $0xF7A  }
0x23: {  	s9 =	sor.u32 $0xD0000000, s2;
	s6 =	simm.s32 $0x108;
	_ =	swait.ge @!p0 [sflag:s8], $0x0  }
0x24: {  	s3 =	sadd.s32 $0x88, s3;
	s6 =	simm.s32 @!p1 $0x1082;
	[sflag:s4] =	ssyncset.s32 $0xFFFFF086  }
0x25: {  	[simem:s6], [sflag:s4] =	dma.local [hbm:s3], $0xF7A  }
0x26: {  	[smem:$0x3F9D] =	sst s1;
	(tag) =	ssettag s2;
	_ =	strace s9  }
0x27: {  	s1 =	sld [smem:$0x3FAD]  }
0x28: {  	s2 =	sld [smem:$0x3FAE]  }
0x29: {  	s4 =	sld [smem:$0x3FB0]  }
0x2a: {  	p0 =	seq.s32 s5, $0x0;
	s5 =	sld [smem:$0x3FB1]  }
0x2b: {  	s6 =	sld [smem:$0x3FB2]  }
0x2c: {  	s7 =	sld [smem:$0x3FB3]  }
0x2d: {  	s3 =	simm.s32 $0x108;
	s8 =	sld [smem:$0x3FB4]  }
0x2e: {  	s3 =	simm.s32 @!p0 $0x1082;
	s9 =	sld [smem:$0x3FB5]  }
0x2f: {  	lr =	sadd.s32 s0, s3;
	s0 =	sld [smem:$0x3FAC]  }
0x30: {  	s3 =	sld [smem:$0x3FAF]  }
0x31: {  	[smem:$0x3FB8] =	sst s10  }
0x32: {  	s10 =	sld [smem:$0x3FB6];
	_ =	sdelay $0x3  }
0x33: {  	p0 =	seq.s32 s10, $0x1;
	s10 =	sld [smem:$0x3FB8];
	_ =	sdelay $0x3  }
0x34: {  	[smem:$0x3FB8] =	sst s10  }
0x35: {  	s10 =	sld [smem:$0x3FB7];
	_ =	sdelay $0x3  }
0x36: {  	p1 =	seq.s32 s10, $0x1;
	s10 =	sld [smem:$0x3FB8];
	_ =	sdelay $0x3  }
0x37: {  	[smem:$0x3FB8] =	sst s10  }
0x38: {  	s10 =	sld [smem:$0x3FB9]  }
0x39: {  	_ = 	snop;
	(pc) =	sbr.ind lr, $3  }
0x3a: {  	_ = 	snop  }
0x3b: {  	_ = 	snop  }
0x3c: {  	p2 =	seq.s32 s10, $0x1;
	s10 =	sld [smem:$0x3FB8]  }
0x3d: {  	_ =	shalt  }
0x3e: {  	_ =	shalt  }
0x3f: {  	_ =	shalt  }
0x40: {  	_ =	shalt  }
0x41: {  	_ =	shalt  }
0x42: {  	_ =	shalt  }
0x43: {  	_ =	shalt  }
0x44: {  	_ =	shalt  }
0x45: {  	_ =	shalt  }
0x46: {  	_ =	shalt  }
0x47: {  	_ =	shalt  }
0x48: {  	_ =	shalt  }
0x49: {  	_ =	shalt  }
0x4a: {  	_ =	shalt  }
0x4b: {  	_ =	shalt  }
0x4c: {  	_ =	shalt  }
0x4d: {  	_ =	shalt  }
0x4e: {  	_ =	shalt  }
0x4f: {  	_ =	shalt  }
0x50: {  	_ =	shalt  }
0x51: {  	_ =	shalt  }
0x52: {  	_ =	shalt  }
0x53: {  	_ =	shalt  }
0x54: {  	_ =	shalt  }
0x55: {  	_ =	shalt  }
0x56: {  	_ =	shalt  }
0x57: {  	_ =	shalt  }
0x58: {  	_ =	shalt  }
0x59: {  	_ =	shalt  }
0x5a: {  	_ =	shalt  }
0x5b: {  	_ =	shalt  }
0x5c: {  	_ =	shalt  }
0x5d: {  	_ =	shalt  }
0x5e: {  	_ =	shalt  }
0x5f: {  	_ =	shalt  }
0x60: {  	_ =	shalt  }
0x61: {  	_ =	shalt  }
0x62: {  	_ =	shalt  }
0x63: {  	_ =	shalt  }
0x64: {  	_ =	shalt  }
0x65: {  	_ =	shalt  }
0x66: {  	_ =	shalt  }
0x67: {  	_ =	shalt  }
0x68: {  	_ =	shalt  }
0x69: {  	_ =	shalt  }
0x6a: {  	_ =	shalt  }
0x6b: {  	_ =	shalt  }
0x6c: {  	_ =	shalt  }
0x6d: {  	_ =	shalt  }
0x6e: {  	_ =	shalt  }
0x6f: {  	_ =	shalt  }
0x70: {  	_ =	shalt  }
0x71: {  	_ =	shalt  }
0x72: {  	_ =	shalt  }
0x73: {  	_ =	shalt  }
0x74: {  	_ =	shalt  }
0x75: {  	_ =	shalt  }
0x76: {  	_ =	shalt  }
0x77: {  	_ =	shalt  }
0x78: {  	_ =	shalt  }
0x79: {  	_ =	shalt  }
0x7a: {  	_ =	shalt  }
0x7b: {  	_ =	shalt  }
0x7c: {  	_ =	shalt  }
0x7d: {  	_ =	shalt  }
0x7e: {  	_ =	shalt  }
0x7f: {  	_ =	shalt  }
0x80: {  	_ =	shalt  }
0x81: {  	_ =	shalt  }
0x82: {  	_ =	shalt  }
0x83: {  	_ =	shalt  }
0x84: {  	_ =	shalt  }
0x85: {  	_ =	shalt  }
0x86: {  	_ =	shalt  }
0x87: {  	_ =	shalt  }
.Lfunc_end0:
.L_simem_size_0:
called_computation_lowered:
.L_overlay_start_0:
0x88: {  	s2 =	sld [smem:$0x3FD9]  }
0x89: {  	s3 =	sld [smem:$0x3FFE];
	_ =	sdelay $0x1  }
0x8a: {  	s1 =	srdreg.scid  }
0x8b: {  	s0 =	sand.u32 $0x1, s1  }
0x8c: {  	s17 =	sshll.u32 s0, $0xA;
	s2 =	sadd.s32 s3, s2  }
0x8d: {  	s2 =	sadd.s32 s2, s17  }
0x8e: {  	[smem:$0x3FC4] =	sst s2  }
0x8f: {  	_ = 	snop  }
0x90: {  	s2 =	sld [smem:$0x3FD0];
	(tm) =	ssettm $0x1  }
0x91: {  	s18 =	sld [smem:$0x3FFB];
	_ =	sdelay $0x3  }
0x92: {  	_ =	strace s18  }
0x93: {  	s3 =	sld [smem:$0x3FFC];
	_ =	sdelay $0x3  }
0x94: {  	_ =	strace s3  }
0x95: {  	s3 =	sld [smem:$0x3FFD];
	_ =	sdelay $0x3  }
0x96: {  	_ =	strace s3  }
0x97: {  	_ =	strace $0x8FFFFFFF  }
0x98: {  	s19 =	sld [smem:$0x3FDB];
	_ =	sdelay $0x1  }
0x99: {  	s4 =	simm.s32 $_scs_section_size  }
0x9a: {  	s5 =	simm.s32 $_size__tile_overlayer_lowered;
	s6 =	simm.s32 $_tile_overlayer_lowered  }
0x9b: {  	s22 =	simm.s32 $0x1BFF;
	s21 =	sshll.u32 s6, $0x1;
	s3 =	sadd.s32 s4, s19  }
0x9c: {  	s7 =	simm.s32 $0x0;
	s20 =	sshll.u32 s5, $0x1;
	s5 =	sadd.s32 s21, s3  }
0x9d: {  	[timem:s7], [sflag:s22] =	dma.local [hbm:s5], s20  }
0x9e: {  	_ =	swait.ge [sflag:s22], s20  }
0x9f: {  	s4 =	ssub.s32 $0x0, s20;
	[sflag:s22] =	ssyncset.done $0x0  }
0xa0: {  	[sflag:s22] =	ssyncadd.s32 s4;
	_ =	sdelay $0x1  }
0xa1: {  	s23 =	simm.s32 $0x1B8B  }
0xa2: {  	_ =	swait.ge [sflag:s23], $0x1  }
0xa3: {  	[sflag:s23] =	ssyncset.done $0x0  }
0xa4: {  	s25 =	simm.s32 $0x1B8E;
	s24 =	sld [smem:$0x3FFE];
	[sflag:s23] =	ssyncadd.s32 $0xFFFFFFFF  }
0xa5: {  	s26 =	simm.s32 $execute0_lowered;
	[smem:$0x3FD2] =	sst s25  }
0xa6: {  	s5 =	sshll.u32 s26, $0x1;
	_ =	strace $0x80000046;
	[dreg:$0x1] =	wrdreg $0xFFFFFFFF  }
0xa7: {  	s28 =	simm.s32 $_size_execute0_lowered;
	s3 =	sadd.s32 s3, s5;
	[dreg:$0x0] =	wrdreg $0x0  }
0xa8: {  	s5 =	sshll.u32 s28, $0x1;
	[dreg:$0x2] =	wrdreg s3  }
0xa9: {  	[dreg:$0x3] =	wrdreg s5  }
0xaa: {  	[dreg:$0x4] =	wrdreg $0xC0  }
0xab: {  	_ =	task [dreg:s7], $0x5FFFF  }
0xac: {  	[dreg:$0x1] =	wrdreg $0xFFFFFFFF  }
0xad: {  	[dreg:$0x0] =	wrdreg $0x60  }
0xae: {  	[dreg:$0x2] =	wrdreg s24  }
0xaf: {  	[dreg:$0x3] =	wrdreg s2  }
0xb0: {  	[dreg:$0x4] =	wrdreg $0x9  }
0xb1: {  	_ =	task.clear_ibuf [dreg:s7], $0x5FFFF;
	_ =	strace $0x90000046  }
0xb2: {  	s29 =	simm.s32 $0x9;
	_ =	strace $0x80000048  }
0xb3: {  	_ =	swait.ge [sflag:s29], $0x1  }
0xb4: {  	[sflag:s29] =	ssyncadd.s32 $0xFFFFFFFF  }
0xb5: {  	_ =	strace $0x90000048  }
0xb6: {  	_ =	sfence  }
0xb7: {  	s30 =	sld [smem:$0x0];
	_ =	sdelay $0x2  }
0xb8: {  	s31 =	sshll.u32 s1, $0xD;
	s1 =	sshrl.u32 s1, $0x2  }
0xb9: {  	s3 =	sand.u32 $0x4000, s31;
	s1 =	sadd.s32 s1, s30  }
0xba: {  	s0 =	sor.u32 s3, s0;
	s1 =	sshll.u32 s1, $0x11  }
0xbb: {  	s0 =	sor.u32 s1, s0  }
0xbc: {  	s0 =	sadd.s32 $0x8F2B, s0  }
0xbd: {  	[sflag:s0] =	ssyncadd.remote.s32 $0x1  }
0xbe: {  	_ =	sfence.sel $0xFFFF  }
0xbf: {  	[dreg:$0x0] =	wrdreg $0xFFFFFFFF;
	(pc) =	sbr.abs _section_cstart, $3  }
0xc0: {  	[dreg:$0x1] =	wrdreg $0xFFFFFFFF  }
0xc1: {  	_ =	task.clear_ibuf [dreg:s7], $0x2FFFF;
	_ =	strace $0x9FFFFFFF  }
0xc2: {  	(tm) =	ssettm $0x7FFFFFFF  }
0xc3: {  	_ =	shalt  }
tec
execute0_lowered:
.L_overlay_start_1:
0x0: {  	(tag) =	ssettag $0x1  }
0x1: {  	s0 =	rddreg [dreg:$0x0];
	s2 =	simm.s32 $0x0  }
0x2: {  	s1 =	srdreg.scid;
	s7 =	stileid.u32;
	s10 =	simm.s32 $0x2  }
0x3: {  	s11 =	simm.s32 $0x80;
	s20 =	simm.s32 $0x2100;
	s21 =	simm.s32 $0x1500  }
0x4: {  	s22 =	simm.s32 $0x2180;
	s23 =	simm.s32 $0x1580;
	s24 =	simm.s32 $0x2200  }
0x5: {  	s25 =	simm.s32 $0x1600;
	s28 =	simm.s32 $0x1680;
	s29 =	simm.s32 $0x2300  }
0x6: {  	s30 =	simm.s32 $0x1700;
	s31 =	simm.s32 $0x2380;
	s9 =	simm.s32 $0x1800  }
0x7: {  	s8 =	simm.s32 $0x1880;
	s12 =	simm.s32 $0x1;
	s13 =	simm.s32 $0x2580  }
0x8: {  	s15 =	simm.s32 $0x0;
	[smem:$0x7FF] =	sst s2;
	s4 =	sadd.s32 $0x1000, s0  }
0x9: {  	s1 =	sand.u32 $0x1, s1;
	s5 =	sadd.s32 $0x3D1A00, s0;
	s7 =	sshll.u32 s7, $0x4  }
0xa: {  	s0 =	sadd.s32 $0x1A000, s0;
	_ =	strace $0x80000047;
	s3 =	ssub.s32 $0x2, s1  }
0xb: {  	s1 =	sshll.u32 s1, $0x3;
	[dreg:$0x3] =	wrdreg s0;
	s6 =	sshrl.u32 s3, $0x1  }
0xc: {  	v0 =	vlaneseq.u32;
	s7 =	sor.u32 s1, s7;
	s1 =	simm.s32 $0x2500;
	s26 =	ssub.s32 s3, s6  }
0xd: {  	v0 =	vmul.u32 $0xC8, v0;
	s3 =	simm.s32 $0x2400;
	s6 =	simm.s32 $0x2480;
	s0 =	smax.u32 s26, $0x1  }
0xe: {  	s26 =	simm.s32 $0x2280;
	[dreg:$0x4] =	wrdreg s0;
	s0 =	simm.s32 $0x1780  }
.LBB2_1:
0xf: {  	[dreg:$0x5] =	wrdreg s15  }
0x10: {  	s14 =	rddreg [dreg:$0x3];
	s19 =	simm.s32 $0x2600  }
0x11: {  	[tilespmem:s19], [sflag:$0x2] =	stream.linear.gather [hbm4b:s14+s2], $0x80, $0x38;
	[tilespmem:$0x2680] =	vst v63  }
0x12: {  	_ =	swait.ge [sflag:s10], $0x80  }
0x13: {  	[sflag:s10] =	ssyncset.done $0x0  }
0x14: {  	s14 =	simm.s32 $0x0;
	[sflag:s10] =	ssyncadd.s32 $0xFFFFFF80  }
.LBB2_2:
0x15: {  	s15 =	sadd.s32 s7, s14  }
0x16: {  	s16 =	smul.u32 $0x190, s15  }
0x17: {  	s17 =	simm.s32 $0x0  }
0x18: {  	v1 =	vadd.s32 s17, v0;
	s16 =	sadd.s32 s4, s16  }
0x19: {  	[tilespmem:s2], [sflag:$0x2] =	stream.linear.gather [hbm4b:s16+s2], $0xC80, $0x38;
	[tilespmem:$0x2680] =	vst v63  }
0x1a: {  	_ =	swait.ge [sflag:s10], $0xC80  }
0x1b: {  	[sflag:s10] =	ssyncset.done $0x0  }
0x1c: {  	[sflag:s10] =	ssyncadd.s32 $0xFFFFF380  }
0x1d: {  	s17 =	simm.s32 $0x1;
	v1 =	vld.idx.msk [tilespmem:v1+s2+$0x0], $0xffff  }
0x1e: {  	v2 =	vadd.s32 s17, v0;
	_ =	sdelay $0x2  }
0x1f: {  	s16 =	simm.s32 $0xCC0  }
0x20: {  	[tilespmem:s16+$0xFFFFFFC0] =	vst v1  }
0x21: {  	s18 =	simm.s32 $0x2;
	v1 =	vld.idx.msk [tilespmem:v2+s2+$0x0], $0xffff  }
0x22: {  	v2 =	vadd.s32 s18, v0;
	_ =	sdelay $0x3  }
0x23: {  	[tilespmem:s16+$0xFFFFFFD0] =	vst v1  }
0x24: {  	s19 =	simm.s32 $0x3;
	v1 =	vld.idx.msk [tilespmem:v2+s2+$0x0], $0xffff  }
0x25: {  	v2 =	vadd.s32 s19, v0;
	_ =	sdelay $0x3  }
0x26: {  	[tilespmem:s16+$0xFFFFFFE0] =	vst v1  }
0x27: {  	s18 =	simm.s32 $0x4;
	v1 =	vld.idx.msk [tilespmem:v2+s2+$0x0], $0xffff  }
0x28: {  	v2 =	vadd.s32 s18, v0;
	_ =	sdelay $0x3  }
0x29: {  	[tilespmem:s16+$0xFFFFFFF0] =	vst v1  }
0x2a: {  	s19 =	simm.s32 $0x5;
	v1 =	vld.idx.msk [tilespmem:v2+s2+$0x0], $0xffff  }
0x2b: {  	v2 =	vadd.s32 s19, v0;
	_ =	sdelay $0x3  }
0x2c: {  	[tilespmem:s16+$0x0] =	vst v1  }
0x2d: {  	s18 =	simm.s32 $0x6;
	v1 =	vld.idx.msk [tilespmem:v2+s2+$0x0], $0xffff  }
0x2e: {  	v2 =	vadd.s32 s18, v0;
	_ =	sdelay $0x3  }
0x2f: {  	[tilespmem:s16+$0x10] =	vst v1  }
0x30: {  	s19 =	simm.s32 $0x7;
	v1 =	vld.idx.msk [tilespmem:v2+s2+$0x0], $0xffff  }
0x31: {  	v2 =	vadd.s32 s19, v0;
	_ =	sdelay $0x3  }
0x32: {  	[tilespmem:s16+$0x20] =	vst v1  }
0x33: {  	s17 =	simm.s32 $0xF;
	s18 =	simm.s32 $0x17;
	s19 =	simm.s32 $0x8;
	v1 =	vld.idx.msk [tilespmem:v2+s2+$0x0], $0xffff  }
.LBB2_3:
0x34: {  	p0 =	sne.s32 s18, $0xC7;
	v2 =	vadd.s32 s19, v0;
	_ =	sdelay $0x3  }
0x35: {  	[tilespmem:s16+$0x30] =	vst v1  }
0x36: {  	v1 =	vld.idx.msk [tilespmem:v2+s2+$0x0], $0xffff  }
0x37: {  	s19 =	sadd.s32 $0xFFFFFFFA, s17  }
0x38: {  	v2 =	vadd.s32 s19, v0;
	_ =	sdelay $0x2  }
0x39: {  	s16 =	sadd.s32 $0x80, s16  }
0x3a: {  	[tilespmem:s16+$0xFFFFFFC0] =	vst v1  }
0x3b: {  	v1 =	vld.idx.msk [tilespmem:v2+s2+$0x0], $0xffff  }
0x3c: {  	s19 =	sadd.s32 $0xFFFFFFFB, s17  }
0x3d: {  	v2 =	vadd.s32 s19, v0;
	_ =	sdelay $0x3  }
0x3e: {  	[tilespmem:s16+$0xFFFFFFD0] =	vst v1  }
0x3f: {  	v1 =	vld.idx.msk [tilespmem:v2+s2+$0x0], $0xffff  }
0x40: {  	s19 =	sadd.s32 $0xFFFFFFFC, s17  }
0x41: {  	v2 =	vadd.s32 s19, v0;
	_ =	sdelay $0x3  }
0x42: {  	[tilespmem:s16+$0xFFFFFFE0] =	vst v1  }
0x43: {  	v1 =	vld.idx.msk [tilespmem:v2+s2+$0x0], $0xffff  }
0x44: {  	s19 =	sadd.s32 $0xFFFFFFFD, s17  }
0x45: {  	v2 =	vadd.s32 s19, v0;
	_ =	sdelay $0x3  }
0x46: {  	[tilespmem:s16+$0xFFFFFFF0] =	vst v1  }
0x47: {  	v1 =	vld.idx.msk [tilespmem:v2+s2+$0x0], $0xffff  }
0x48: {  	s19 =	sadd.s32 $0xFFFFFFFE, s17  }
0x49: {  	v2 =	vadd.s32 s19, v0;
	_ =	sdelay $0x3  }
0x4a: {  	[tilespmem:s16+$0x0] =	vst v1  }
0x4b: {  	v1 =	vld.idx.msk [tilespmem:v2+s2+$0x0], $0xffff  }
0x4c: {  	s19 =	sadd.s32 $0xFFFFFFFF, s17  }
0x4d: {  	v2 =	vadd.s32 s19, v0;
	_ =	sdelay $0x3  }
0x4e: {  	[tilespmem:s16+$0x10] =	vst v1  }
0x4f: {  	v1 =	vld.idx.msk [tilespmem:v2+s2+$0x0], $0xffff;
	_ =	sdelay $0x1  }
0x50: {  	v2 =	vadd.s32 s17, v0;
	s17 =	smov.u32 s18;
	_ =	sdelay $0x1  }
.Ltmp0:
0x51: {  	(pc) =	sbr.rel @p0 .LBB2_3-.Ltmp0, $4  }
0x52: {  	_ = 	snop  }
0x53: {  	[tilespmem:s16+$0x20] =	vst v1  }
0x54: {  	v1 =	vld.idx.msk [tilespmem:v2+s2+$0x0], $0xffff  }
0x55: {  	s18 =	sadd.s32 $0x8, s18;
	s19 =	sadd.s32 $0xFFFFFFF9, s17  }
0x56: {  	v2 =	vadd.s32 s19, v0;
	_ =	sdelay $0x3  }
0x57: {  	[tilespmem:s16+$0x30] =	vst v1  }
0x58: {  	s18 =	sadd.s32 $0xFFFFFFFA, s17;
	v1 =	vld.idx.msk [tilespmem:v2+s2+$0x0], $0xffff  }
0x59: {  	v2 =	vadd.s32 s18, v0;
	_ =	sdelay $0x2  }
0x5a: {  	s16 =	sadd.s32 $0x80, s16  }
0x5b: {  	[tilespmem:s16+$0xFFFFFFC0] =	vst v1  }
0x5c: {  	s19 =	sadd.s32 $0xFFFFFFFB, s17;
	v1 =	vld.idx.msk [tilespmem:v2+s2+$0x0], $0xffff  }
0x5d: {  	v2 =	vadd.s32 s19, v0;
	_ =	sdelay $0x3  }
0x5e: {  	[tilespmem:s16+$0xFFFFFFD0] =	vst v1  }
0x5f: {  	s19 =	sadd.s32 $0xFFFFFFFC, s17;
	v1 =	vld.idx.msk [tilespmem:v2+s2+$0x0], $0xffff  }
0x60: {  	v2 =	vadd.s32 s19, v0;
	_ =	sdelay $0x3  }
0x61: {  	[tilespmem:s16+$0xFFFFFFE0] =	vst v1  }
0x62: {  	s19 =	sadd.s32 $0xFFFFFFFD, s17;
	v1 =	vld.idx.msk [tilespmem:v2+s2+$0x0], $0xffff  }
0x63: {  	v2 =	vadd.s32 s19, v0;
	_ =	sdelay $0x3  }
0x64: {  	[tilespmem:s16+$0xFFFFFFF0] =	vst v1  }
0x65: {  	s19 =	sadd.s32 $0xFFFFFFFE, s17;
	v1 =	vld.idx.msk [tilespmem:v2+s2+$0x0], $0xffff  }
0x66: {  	v2 =	vadd.s32 s19, v0;
	_ =	sdelay $0x3  }
0x67: {  	[tilespmem:s16+$0x0] =	vst v1  }
0x68: {  	s19 =	sadd.s32 $0xFFFFFFFF, s17;
	v1 =	vld.idx.msk [tilespmem:v2+s2+$0x0], $0xffff  }
0x69: {  	v2 =	vadd.s32 s19, v0;
	_ =	sdelay $0x3  }
0x6a: {  	[tilespmem:s16+$0x10] =	vst v1  }
0x6b: {  	v1 =	vld.idx.msk [tilespmem:v2+s2+$0x0], $0xffff  }
0x6c: {  	v2 =	vadd.s32 s17, v0;
	_ =	sdelay $0x3  }
0x6d: {  	[tilespmem:s16+$0x20] =	vst v1  }
0x6e: {  	v1 =	vld.idx.msk [tilespmem:v2+s2+$0x0], $0xffff;
	_ =	sdelay $0x4  }
0x6f: {  	s18 =	simm.s32 $0xC80;
	s19 =	simm.s32 $0x1900;
	[tilespmem:s16+$0x30] =	vst v1  }
0x70: {  	[tilespmem:s19], [sflag:$0x1] =	stream.indirect.gather [hbm4b:s5+s11], $0x1, s18, s11, $0xb8;
	[tilespmem:$0x2680] =	vst v63  }
0x71: {  	s18 =	simm.s32 $0xD00;
	s19 =	simm.s32 $0x1980  }
0x72: {  	[tilespmem:s19], [sflag:$0x1] =	stream.indirect.gather [hbm4b:s5+s11], $0x1, s18, s11, $0xb8;
	[tilespmem:$0x2680] =	vst v63  }
0x73: {  	s18 =	simm.s32 $0xD80;
	s19 =	simm.s32 $0x1A00  }
0x74: {  	[tilespmem:s19], [sflag:$0x1] =	stream.indirect.gather [hbm4b:s5+s11], $0x1, s18, s11, $0xb8;
	[tilespmem:$0x2680] =	vst v63  }
0x75: {  	s18 =	simm.s32 $0xE00;
	s19 =	simm.s32 $0x1A80  }
0x76: {  	[tilespmem:s19], [sflag:$0x1] =	stream.indirect.gather [hbm4b:s5+s11], $0x1, s18, s11, $0xb8;
	[tilespmem:$0x2680] =	vst v63  }
0x77: {  	s18 =	simm.s32 $0xE80;
	s19 =	simm.s32 $0x1B00  }
0x78: {  	[tilespmem:s19], [sflag:$0x1] =	stream.indirect.gather [hbm4b:s5+s11], $0x1, s18, s11, $0xb8;
	[tilespmem:$0x2680] =	vst v63  }
0x79: {  	s18 =	simm.s32 $0xF00;
	s19 =	simm.s32 $0x1B80  }
0x7a: {  	[tilespmem:s19], [sflag:$0x1] =	stream.indirect.gather [hbm4b:s5+s11], $0x1, s18, s11, $0xb8;
	[tilespmem:$0x2680] =	vst v63  }
0x7b: {  	s18 =	simm.s32 $0xF80;
	s19 =	simm.s32 $0x1C00  }
0x7c: {  	[tilespmem:s19], [sflag:$0x1] =	stream.indirect.gather [hbm4b:s5+s11], $0x1, s18, s11, $0xb8;
	[tilespmem:$0x2680] =	vst v63  }
0x7d: {  	s18 =	simm.s32 $0x1000;
	s19 =	simm.s32 $0x1C80  }
0x7e: {  	[tilespmem:s19], [sflag:$0x1] =	stream.indirect.gather [hbm4b:s5+s11], $0x1, s18, s11, $0xb8;
	[tilespmem:$0x2680] =	vst v63  }
0x7f: {  	s18 =	simm.s32 $0x1080;
	s19 =	simm.s32 $0x1D00  }
0x80: {  	[tilespmem:s19], [sflag:$0x1] =	stream.indirect.gather [hbm4b:s5+s11], $0x1, s18, s11, $0xb8;
	[tilespmem:$0x2680] =	vst v63  }
0x81: {  	s18 =	simm.s32 $0x1100;
	s19 =	simm.s32 $0x1D80  }
0x82: {  	[tilespmem:s19], [sflag:$0x1] =	stream.indirect.gather [hbm4b:s5+s11], $0x1, s18, s11, $0xb8;
	[tilespmem:$0x2680] =	vst v63  }
0x83: {  	s18 =	simm.s32 $0x1180;
	s19 =	simm.s32 $0x1E00  }
0x84: {  	[tilespmem:s19], [sflag:$0x1] =	stream.indirect.gather [hbm4b:s5+s11], $0x1, s18, s11, $0xb8;
	[tilespmem:$0x2680] =	vst v63  }
0x85: {  	s18 =	simm.s32 $0x1200;
	s19 =	simm.s32 $0x1E80  }
0x86: {  	[tilespmem:s19], [sflag:$0x1] =	stream.indirect.gather [hbm4b:s5+s11], $0x1, s18, s11, $0xb8;
	[tilespmem:$0x2680] =	vst v63  }
0x87: {  	s18 =	simm.s32 $0x1280;
	s19 =	simm.s32 $0x1F00  }
0x88: {  	[tilespmem:s19], [sflag:$0x1] =	stream.indirect.gather [hbm4b:s5+s11], $0x1, s18, s11, $0xb8;
	[tilespmem:$0x2680] =	vst v63  }
0x89: {  	s18 =	simm.s32 $0x1300;
	s19 =	simm.s32 $0x1F80  }
0x8a: {  	[tilespmem:s19], [sflag:$0x1] =	stream.indirect.gather [hbm4b:s5+s11], $0x1, s18, s11, $0xb8;
	[tilespmem:$0x2680] =	vst v63  }
0x8b: {  	s18 =	simm.s32 $0x1380;
	s19 =	simm.s32 $0x2000  }
0x8c: {  	[tilespmem:s19], [sflag:$0x1] =	stream.indirect.gather [hbm4b:s5+s11], $0x1, s18, s11, $0xb8;
	[tilespmem:$0x2680] =	vst v63  }
0x8d: {  	s18 =	simm.s32 $0x1400;
	s19 =	simm.s32 $0x2080  }
0x8e: {  	[tilespmem:s19], [sflag:$0x1] =	stream.indirect.gather [hbm4b:s5+s11], $0x1, s18, s11, $0xb8;
	[tilespmem:$0x2680] =	vst v63  }
0x8f: {  	s18 =	simm.s32 $0x1480  }
0x90: {  	[tilespmem:s20], [sflag:$0x1] =	stream.indirect.gather [hbm4b:s5+s11], $0x1, s18, s11, $0xb8;
	[tilespmem:$0x2680] =	vst v63  }
0x91: {  	_ = 	snop  }
0x92: {  	[tilespmem:s22], [sflag:$0x1] =	stream.indirect.gather [hbm4b:s5+s11], $0x1, s21, s11, $0xb8;
	[tilespmem:$0x2680] =	vst v63  }
0x93: {  	_ = 	snop  }
0x94: {  	[tilespmem:s24], [sflag:$0x1] =	stream.indirect.gather [hbm4b:s5+s11], $0x1, s23, s11, $0xb8;
	[tilespmem:$0x2680] =	vst v63  }
0x95: {  	_ = 	snop  }
0x96: {  	[tilespmem:s26], [sflag:$0x1] =	stream.indirect.gather [hbm4b:s5+s11], $0x1, s25, s11, $0xb8;
	[tilespmem:$0x2680] =	vst v63  }
0x97: {  	_ = 	snop  }
0x98: {  	[tilespmem:s29], [sflag:$0x1] =	stream.indirect.gather [hbm4b:s5+s11], $0x1, s28, s11, $0xb8;
	[tilespmem:$0x2680] =	vst v63  }
0x99: {  	_ = 	snop  }
0x9a: {  	[tilespmem:s31], [sflag:$0x1] =	stream.indirect.gather [hbm4b:s5+s11], $0x1, s30, s11, $0xb8;
	[tilespmem:$0x2680] =	vst v63  }
0x9b: {  	_ = 	snop  }
0x9c: {  	[tilespmem:s3], [sflag:$0x1] =	stream.indirect.gather [hbm4b:s5+s11], $0x1, s0, s11, $0xb8;
	[tilespmem:$0x2680] =	vst v63  }
0x9d: {  	_ = 	snop  }
0x9e: {  	[tilespmem:s6], [sflag:$0x1] =	stream.indirect.gather [hbm4b:s5+s11], $0x1, s9, s11, $0xb8;
	[tilespmem:$0x2680] =	vst v63  }
0x9f: {  	_ = 	snop  }
0xa0: {  	[tilespmem:s1], [sflag:$0x1] =	stream.indirect.gather [hbm4b:s5+s11], $0x1, s8, s11, $0xb8;
	[tilespmem:$0x2680] =	vst v63  }
0xa1: {  	_ =	swait.ge [sflag:s12], $0x80  }
0xa2: {  	[sflag:s12] =	ssyncset.done $0x0  }
0xa3: {  	[sflag:s12] =	ssyncadd.s32 $0xFFFFFF80  }
0xa4: {  	_ =	swait.ge [sflag:s12], $0x80  }
0xa5: {  	[sflag:s12] =	ssyncset.done $0x0  }
0xa6: {  	[sflag:s12] =	ssyncadd.s32 $0xFFFFFF80  }
0xa7: {  	_ =	swait.ge [sflag:s12], $0x80  }
0xa8: {  	[sflag:s12] =	ssyncset.done $0x0  }
0xa9: {  	[sflag:s12] =	ssyncadd.s32 $0xFFFFFF80  }
0xaa: {  	_ =	swait.ge [sflag:s12], $0x80  }
0xab: {  	[sflag:s12] =	ssyncset.done $0x0  }
0xac: {  	[sflag:s12] =	ssyncadd.s32 $0xFFFFFF80  }
0xad: {  	_ =	swait.ge [sflag:s12], $0x80  }
0xae: {  	[sflag:s12] =	ssyncset.done $0x0  }
0xaf: {  	[sflag:s12] =	ssyncadd.s32 $0xFFFFFF80  }
0xb0: {  	_ =	swait.ge [sflag:s12], $0x80  }
0xb1: {  	[sflag:s12] =	ssyncset.done $0x0  }
0xb2: {  	[sflag:s12] =	ssyncadd.s32 $0xFFFFFF80  }
0xb3: {  	_ =	swait.ge [sflag:s12], $0x80  }
0xb4: {  	[sflag:s12] =	ssyncset.done $0x0  }
0xb5: {  	[sflag:s12] =	ssyncadd.s32 $0xFFFFFF80  }
0xb6: {  	_ =	swait.ge [sflag:s12], $0x80  }
0xb7: {  	[sflag:s12] =	ssyncset.done $0x0  }
0xb8: {  	[sflag:s12] =	ssyncadd.s32 $0xFFFFFF80  }
0xb9: {  	_ =	swait.ge [sflag:s12], $0x80  }
0xba: {  	[sflag:s12] =	ssyncset.done $0x0  }
0xbb: {  	[sflag:s12] =	ssyncadd.s32 $0xFFFFFF80  }
0xbc: {  	_ =	swait.ge [sflag:s12], $0x80  }
0xbd: {  	[sflag:s12] =	ssyncset.done $0x0  }
0xbe: {  	[sflag:s12] =	ssyncadd.s32 $0xFFFFFF80  }
0xbf: {  	_ =	swait.ge [sflag:s12], $0x80  }
0xc0: {  	[sflag:s12] =	ssyncset.done $0x0  }
0xc1: {  	[sflag:s12] =	ssyncadd.s32 $0xFFFFFF80  }
0xc2: {  	_ =	swait.ge [sflag:s12], $0x80  }
0xc3: {  	[sflag:s12] =	ssyncset.done $0x0  }
0xc4: {  	[sflag:s12] =	ssyncadd.s32 $0xFFFFFF80  }
0xc5: {  	_ =	swait.ge [sflag:s12], $0x80  }
0xc6: {  	[sflag:s12] =	ssyncset.done $0x0  }
0xc7: {  	[sflag:s12] =	ssyncadd.s32 $0xFFFFFF80  }
0xc8: {  	_ =	swait.ge [sflag:s12], $0x80  }
0xc9: {  	[sflag:s12] =	ssyncset.done $0x0  }
0xca: {  	[sflag:s12] =	ssyncadd.s32 $0xFFFFFF80  }
0xcb: {  	_ =	swait.ge [sflag:s12], $0x80  }
0xcc: {  	[sflag:s12] =	ssyncset.done $0x0  }
0xcd: {  	[sflag:s12] =	ssyncadd.s32 $0xFFFFFF80  }
0xce: {  	_ =	swait.ge [sflag:s12], $0x80  }
0xcf: {  	[sflag:s12] =	ssyncset.done $0x0  }
0xd0: {  	[sflag:s12] =	ssyncadd.s32 $0xFFFFFF80  }
0xd1: {  	_ =	swait.ge [sflag:s12], $0x80  }
0xd2: {  	[sflag:s12] =	ssyncset.done $0x0  }
0xd3: {  	[sflag:s12] =	ssyncadd.s32 $0xFFFFFF80  }
0xd4: {  	_ =	swait.ge [sflag:s12], $0x80  }
0xd5: {  	[sflag:s12] =	ssyncset.done $0x0  }
0xd6: {  	[sflag:s12] =	ssyncadd.s32 $0xFFFFFF80  }
0xd7: {  	_ =	swait.ge [sflag:s12], $0x80  }
0xd8: {  	[sflag:s12] =	ssyncset.done $0x0  }
0xd9: {  	[sflag:s12] =	ssyncadd.s32 $0xFFFFFF80  }
0xda: {  	_ =	swait.ge [sflag:s12], $0x80  }
0xdb: {  	[sflag:s12] =	ssyncset.done $0x0  }
0xdc: {  	[sflag:s12] =	ssyncadd.s32 $0xFFFFFF80  }
0xdd: {  	_ =	swait.ge [sflag:s12], $0x80  }
0xde: {  	[sflag:s12] =	ssyncset.done $0x0  }
0xdf: {  	[sflag:s12] =	ssyncadd.s32 $0xFFFFFF80  }
0xe0: {  	_ =	swait.ge [sflag:s12], $0x80  }
0xe1: {  	[sflag:s12] =	ssyncset.done $0x0  }
0xe2: {  	[sflag:s12] =	ssyncadd.s32 $0xFFFFFF80  }
0xe3: {  	_ =	swait.ge [sflag:s12], $0x80  }
0xe4: {  	[sflag:s12] =	ssyncset.done $0x0  }
0xe5: {  	[sflag:s12] =	ssyncadd.s32 $0xFFFFFF80  }
0xe6: {  	_ =	swait.ge [sflag:s12], $0x80  }
0xe7: {  	[sflag:s12] =	ssyncset.done $0x0  }
0xe8: {  	[sflag:s12] =	ssyncadd.s32 $0xFFFFFF80  }
0xe9: {  	_ =	swait.ge [sflag:s12], $0x80  }
0xea: {  	[sflag:s12] =	ssyncset.done $0x0  }
0xeb: {  	s19 =	simm.s32 $0x0;
	[sflag:s12] =	ssyncadd.s32 $0xFFFFFF80  }
0xec: {  	v1 =	vld [tilespmem:s19+$0x1900];
	_ =	sdelay $0x1  }
0xed: {  	v2 =	vld [tilespmem:s19+$0x1910];
	_ =	sdelay $0x1  }
0xee: {  	v3 =	vimm.f32 $0.0e+00;
	v4 =	vld [tilespmem:s19+$0x1920]  }
0xef: {  	v1 =	vadd.f32 v1, v3  }
0xf0: {  	v3 =	vld [tilespmem:s19+$0x1930]  }
0xf1: {  	v1 =	vadd.f32 v2, v1  }
0xf2: {  	v2 =	vld [tilespmem:s19+$0x1940]  }
0xf3: {  	v1 =	vadd.f32 v4, v1;
	_ =	sdelay $0x1  }
0xf4: {  	v4 =	vld [tilespmem:s19+$0x1950];
	v1 =	vadd.f32 v3, v1;
	_ =	sdelay $0x1  }
0xf5: {  	v3 =	vadd.f32 v2, v1;
	v2 =	vld [tilespmem:s19+$0x1960];
	_ =	sdelay $0x1  }
0xf6: {  	v1 =	vld [tilespmem:s19+$0x1970]  }
0xf7: {  	s17 =	simm.s32 $0x400;
	s16 =	simm.s32 $0x80;
	v3 =	vadd.f32 v4, v3  }
.LBB2_5:
0xf8: {  	p0 =	sne.s32 s17, $0x3000;
	v4 =	vld [tilespmem:s16+$0x1900]  }
0xf9: {  	v2 =	vadd.f32 v2, v3  }
0xfa: {  	v3 =	vld [tilespmem:s16+$0x1910]  }
0xfb: {  	v1 =	vadd.f32 v1, v2  }
0xfc: {  	v2 =	vld [tilespmem:s16+$0x1920]  }
0xfd: {  	v1 =	vadd.f32 v4, v1  }
0xfe: {  	v4 =	vld [tilespmem:s16+$0x1930]  }
0xff: {  	v1 =	vadd.f32 v3, v1  }
0x100: {  	v3 =	vld [tilespmem:s16+$0x1940]  }
0x101: {  	v1 =	vadd.f32 v2, v1  }
0x102: {  	v5 =	vld [tilespmem:s16+$0x1950]  }
.Ltmp1:
0x103: {  	v1 =	vadd.f32 v4, v1;
	(pc) =	sbr.rel @p0 .LBB2_5-.Ltmp1, $4  }
0x104: {  	v2 =	vld [tilespmem:s16+$0x1960]  }
0x105: {  	v3 =	vadd.f32 v3, v1  }
0x106: {  	v1 =	vld [tilespmem:s16+$0x1970]  }
0x107: {  	s16 =	sshra.s32 s17, $0x2;
	s17 =	sadd.s32 $0x200, s17;
	v3 =	vadd.f32 v5, v3  }
0x108: {  	v4 =	vld [tilespmem:s16+$0x1900]  }
0x109: {  	v2 =	vadd.f32 v2, v3  }
0x10a: {  	v3 =	vld [tilespmem:s16+$0x1910]  }
0x10b: {  	v1 =	vadd.f32 v1, v2  }
0x10c: {  	v2 =	vld [tilespmem:s16+$0x1920]  }
0x10d: {  	v1 =	vadd.f32 v4, v1  }
0x10e: {  	v62 =	vld [tilespmem:s16+$0x1930]  }
0x10f: {  	v1 =	vadd.f32 v3, v1  }
0x110: {  	v3 =	vld [tilespmem:s16+$0x1940]  }
0x111: {  	v1 =	vadd.f32 v2, v1  }
0x112: {  	v2 =	vld [tilespmem:s16+$0x1950]  }
0x113: {  	v1 =	vadd.f32 v62, v1  }
0x114: {  	v63 =	vld [tilespmem:s16+$0x1960]  }
0x115: {  	v1 =	vadd.f32 v3, v1  }
0x116: {  	v3 =	vld [tilespmem:s16+$0x1970]  }
0x117: {  	v1 =	vadd.f32 v2, v1;
	_ =	sdelay $0x1  }
0x118: {  	v1 =	vadd.f32 v63, v1  }
0x119: {  	v2 =	vld [tilespmem:$0x2600]  }
0x11a: {  	v1 =	vadd.f32 v3, v1;
	_ =	sdelay $0x1  }
0x11b: {  	v1 =	vmul.f32 $4.999999890e-03, v1;
	_ =	sdelay $0x1  }
0x11c: {  	v1 =	vadd.f32 v2, v1;
	_ =	sdelay $0x1  }
0x11d: {  	v1 =	vsub.f32 $0.0e+00, v1;
	_ =	sdelay $0x1  }
0x11e: {  	v1 =	vmul.f32 $1.442695020e+00, v1;
	_ =	sdelay $0x1  }
0x11f: {  	(erf) = vpow2.f32 v1;
	_ =	sdelay $0x8  }
0x120: {  	v1 =	vpop (erf)  }
0x121: {  	v1 =	vadd.f32 $1.000000000e+00, v1;
	_ =	sdelay $0x1  }
0x122: {  	(erf) = vrcp.f32 v1;
	_ =	sdelay $0x7  }
0x123: {  	s14 =	sadd.s32 $0x1, s14  }
0x124: {  	s15 =	sshll.u32 s15, $0x1;
	s19 =	rddreg [dreg:$0x1];
	p0 =	sne.s32 s14, $0x8;
	v1 =	vpop (erf)  }
.Ltmp2:
0x125: {  	s15 =	sadd.s32 s19, s15;
	[tilespmem:$0x2580] =	vst v1;
	(pc) =	sbr.rel @p0 .LBB2_2-.Ltmp2, $4  }
0x126: {  	[hbm4b:s15+s2] =	stream.linear.scatter [tilespmem:s13], [sflag:$0x2], $0x10, $0x38;
	[tilespmem:$0x2680] =	vst v63  }
0x127: {  	_ =	swait.ge [sflag:s10], $0x10  }
0x128: {  	[sflag:s10] =	ssyncset.done $0x0  }
0x129: {  	[sflag:s10] =	ssyncadd.s32 $0xFFFFFFF0  }
0x12a: {  	s15 =	rddreg [dreg:$0x5]  }
0x12b: {  	s14 =	rddreg [dreg:$0x4];
	s15 =	sadd.s32 $0x1, s15  }
0x12c: {  	p0 =	sne.s32 s15, s14  }
.Ltmp3:
0x12d: {  	_ = 	snop;
	(pc) =	sbr.rel @p0 .LBB2_1-.Ltmp3, $1  }
0x12e: {  	_ =	sdelay $0x3  }
0x12f: {  	_ =	sfence.sel $0x180000  }
0x130: {  	[bflag:$0x0] =	sbarrier.arrive $0xFFFF  }
0x131: {  	_ =	strace $0x90000047  }
0x132: {  	s0 =	stileid.u32;
	[bflag:$0x2] =	sbarrier.arrive $0xFFFF  }
0x133: {  	p0 =	sne.s32 s0, $0x0;
	s0 =	rddreg [dreg:$0x2]  }
0x134: {  	s0 =	sadd.s32 @!p0 $0x100000, s0  }
0x135: {  	[sflag:s0] =	ssyncadd.tile.s32 @!p0 $0x1;
	_ =	shalt  }
.Lfunc_end2:
_tile_overlayer_lowered:
.L_overlay_start_2:
0x136: {  	(tag) =	ssettag $0x2  }
0x137: {  	s0 =	rddreg [dreg:$0x0];
	s2 =	stileid.u32  }
0x138: {  	s1 =	rddreg [dreg:$0x1];
	p0 =	sne.s32 s2, $0x0  }
0x139: {  	s3 =	rddreg [dreg:$0x2];
	[bflag:$0x3] =	sbarrier.arrive $0xFFFF;
	s2 =	simm.s32 @!p0 $0x1C02  }
0x13a: {  	[timem:s3], [sflag:s2] =	dma.local @!p0 [hbm:s0], s1  }
0x13b: {  	s0 =	simm.s32 @!p0 $0x2  }
0x13c: {  	_ =	swait.ge @!p0 [sflag:s0], s1  }
0x13d: {  	s1 =	ssub.s32 @!p0 $0x0, s1;
	[sflag:s0] =	ssyncset.done @!p0 $0x0  }
0x13e: {  	[sflag:s0] =	ssyncadd.s32 @!p0 s1  }
0x13f: {  	[bflag:$0x3] =	sbarrier.arrive $0xFFFF  }
0x140: {  	_ =	shalt  }

</sc_bundles>
